<compile_context>
chip_gen: v7x
topology: tpu7x:2x2x1
jax: 0.10.2.dev20260603
libtpu: 0.0.44.dev20260713+nightly
codegen_flags: <defaults>
</compile_context>

<pallas_src>
import functools

import jax
import jax.numpy as jnp
from jax import lax
from jax.experimental import pallas as pl
from jax.experimental.pallas import tpu as pltpu
from jax.experimental.pallas import tpu_sc as plsc

NC = 2
NS = 16
NW = NC * NS

CH = 128
KG = 4
SUP = CH * KG
NBUF = 2


@functools.partial(jax.jit, static_argnames=("n_per_w", "n_ch", "d"))
def _sc_gather(idx3, table, n_per_w, n_ch, d):
    n = idx3.shape[0] * idx3.shape[1] * idx3.shape[2]
    n_sup = n_per_w // SUP

    mesh = plsc.VectorSubcoreMesh(
        core_axis_name="c", subcore_axis_name="s", num_cores=NC, num_subcores=NS
    )

    @functools.partial(
        pl.kernel,
        mesh=mesh,
        out_type=jax.ShapeDtypeStruct((n, d), jnp.float32),
        scratch_types=[
            pltpu.VMEM((n_ch, CH), jnp.int32),
            pltpu.VMEM((NBUF, SUP, d), jnp.float32),
            pltpu.SemaphoreType.DMA,
            pltpu.SemaphoreType.DMA,
        ],
        compiler_params=pltpu.CompilerParams(
            use_tc_tiling_on_sc=False, disable_bounds_checks=True
        ),
    )
    def k(idx_hbm, table_hbm, out_hbm, idx_v, rows_v, gsem, wsem):
        wid = lax.axis_index("s") * NC + lax.axis_index("c")
        base = wid * n_per_w
        pltpu.sync_copy(idx_hbm.at[wid], idx_v)

        def fire_gathers(t, b):
            for g in range(KG):
                pltpu.async_copy(
                    table_hbm.at[idx_v.at[t * KG + g]],
                    rows_v.at[b].at[pl.ds(g * CH, CH)],
                    gsem,
                )

        def drain_gathers(t, b):
            for g in range(KG):
                pltpu.make_async_copy(
                    table_hbm.at[idx_v.at[t * KG + g]],
                    rows_v.at[b].at[pl.ds(g * CH, CH)],
                    gsem,
                ).wait()

        def write_desc(t, b):
            return pltpu.make_async_copy(
                rows_v.at[b], out_hbm.at[pl.ds(base + t * SUP, SUP)], wsem
            )

        @pl.loop(0, n_sup, step=NBUF)
        def _(t0):
            for b in range(NBUF):
                t = t0 + b

                @pl.when(t >= NBUF)
                def _():
                    write_desc(t - NBUF, b).wait()

                fire_gathers(t, b)
                drain_gathers(t, b)
                write_desc(t, b).start()

        for b in range(NBUF):
            write_desc(n_sup - NBUF + b, b).wait()

    return k(idx3, table)


def kernel(input_ids, embedding):
    batch, hist = input_ids.shape
    vocab, d = embedding.shape
    n = batch * hist
    assert n % (NW * SUP * NBUF) == 0
    n_per_w = n // NW
    n_ch = n_per_w // CH
    idx3 = input_ids.reshape(NW, n_ch, CH)
    out = _sc_gather(idx3, embedding, n_per_w, n_ch, d)
    return out.reshape(batch, hist, d)

# --- scband reference (transcript-rebuilt; emitter-appended) ---
"""Pipeline reference for scband-embedding-layer-23596550324366 (READ-ONLY COPY).

The authoritative reference and input builder live on the scoring server;
editing this copy changes nothing except your own understanding.
"""

import jax, jax.numpy as jnp
import numpy as np

VOCAB = 1000000
EMBED_DIM = 64
BATCH = 4096
HIST_LEN = 200


def setup_inputs(seed: int = 0) -> dict:
    key = jax.random.key(seed)
    k_idx, k_emb = jax.random.split(key)
    input_ids = jax.random.randint(k_idx, (BATCH, HIST_LEN), 0, VOCAB, dtype=jnp.int32)
    embedding = jax.random.normal(k_emb, (VOCAB, EMBED_DIM), dtype=jnp.float32)
    return {"input_ids": input_ids, "embedding": embedding}


def reference(input_ids, embedding):
    # nn.Embedding.from_pretrained(embedding, freeze=True)(input_ids)
    # is a pure row-gather from the pretrained table.
    batch_input_embeds = jnp.take(embedding, input_ids, axis=0)
    return batch_input_embeds

if __name__ == "__main__":
    import jax
    _d = setup_inputs()
    print(jax.jit(kernel)(*tuple(_d.values())))

</pallas_src>

<mosaic_0001>
#map = affine_map<(d0, d1) -> (0, 0, 0)>
#map1 = affine_map<(d0, d1) -> (0, 0)>
module attributes {stable_mosaic.version = 14 : i64} {
  func.func @k(%arg0: i32, %arg1: i32, %arg2: memref<32x200x128xi32, #tpu.memory_space<hbm>>, %arg3: memref<1000000x64xf32, #tpu.memory_space<hbm>>, %arg4: memref<819200x64xf32, #tpu.memory_space<hbm>>, %arg5: memref<200x128xi32, #tpu.memory_space<vmem>>, %arg6: memref<2x512x64xf32, #tpu.memory_space<vmem>>, %arg7: memref<!tpu.dma_semaphore, #tpu.memory_space<semaphore_mem>>, %arg8: memref<!tpu.dma_semaphore, #tpu.memory_space<semaphore_mem>>) attributes {dimension_semantics = [#tpu.dimension_semantics<core_parallel>, #tpu.dimension_semantics<subcore_parallel>], iteration_bounds = array<i64: 2, 16>, scalar_prefetch = 0 : i64, scratch_operands = 4 : i64, tpu.core_type = #tpu.core_type<sc_vector_subcore>, window_params = [{transform_indices = #map}, {transform_indices = #map1}, {transform_indices = #map1}]} {
    %mul3A = arith.constant 2 : i32
    %mul3A_0 = arith.muli %arg1, %mul3A : i32
    %add3A = arith.addi %mul3A_0, %arg0 : i32
    %mul3A_1 = arith.constant 25600 : i32
    %mul3A_2 = arith.muli %add3A, %mul3A_1 : i32
    "tpu.region"() ({
      %run_scoped3A = tpu.sem_alloc : memref<!tpu.dma_semaphore, #tpu.memory_space<semaphore_mem>>
      %dma_start3A = arith.constant 0 : i32
      %dma_start3A_36 = arith.constant 0 : i32
      %dma_start3A_37 = tpu.memref_slice %arg2[%add3A, %dma_start3A, %dma_start3A_36] : memref<32x200x128xi32, #tpu.memory_space<hbm>> -> memref<1x200x128xi32, #tpu.memory_space<hbm>>
      %dma_start3A_38 = tpu.memref_squeeze %dma_start3A_37 : memref<1x200x128xi32, #tpu.memory_space<hbm>> -> memref<200x128xi32, #tpu.memory_space<hbm>>
      %dma_start3A_39 = arith.constant 0 : i32
      %dma_start3A_40 = arith.constant 0 : i32
      %dma_start3A_41 = tpu.memref_slice %arg2[%add3A, %dma_start3A_39, %dma_start3A_40] : memref<32x200x128xi32, #tpu.memory_space<hbm>> -> memref<1x200x128xi32, #tpu.memory_space<hbm>>
      %dma_start3A_42 = tpu.memref_squeeze %dma_start3A_41 : memref<1x200x128xi32, #tpu.memory_space<hbm>> -> memref<200x128xi32, #tpu.memory_space<hbm>>
      tpu.enqueue_dma source(%dma_start3A_42 : memref<200x128xi32, #tpu.memory_space<hbm>>) target(%arg5 : memref<200x128xi32, #tpu.memory_space<vmem>>) target_semaphore(%run_scoped3A : memref<!tpu.dma_semaphore, #tpu.memory_space<semaphore_mem>>)
      %dma_wait3A_43 = arith.constant 0 : i32
      %dma_wait3A_44 = arith.constant 0 : i32
      %dma_wait3A_45 = tpu.memref_slice %arg2[%add3A, %dma_wait3A_43, %dma_wait3A_44] : memref<32x200x128xi32, #tpu.memory_space<hbm>> -> memref<1x200x128xi32, #tpu.memory_space<hbm>>
      %dma_wait3A_46 = tpu.memref_squeeze %dma_wait3A_45 : memref<1x200x128xi32, #tpu.memory_space<hbm>> -> memref<200x128xi32, #tpu.memory_space<hbm>>
      %dma_wait3A_47 = arith.constant 0 : i32
      %dma_wait3A_48 = arith.constant 0 : i32
      %dma_wait3A_49 = tpu.memref_slice %arg2[%add3A, %dma_wait3A_47, %dma_wait3A_48] : memref<32x200x128xi32, #tpu.memory_space<hbm>> -> memref<1x200x128xi32, #tpu.memory_space<hbm>>
      %dma_wait3A_50 = tpu.memref_squeeze %dma_wait3A_49 : memref<1x200x128xi32, #tpu.memory_space<hbm>> -> memref<200x128xi32, #tpu.memory_space<hbm>>
      tpu.wait_dma2 semaphore(%run_scoped3A : memref<!tpu.dma_semaphore, #tpu.memory_space<semaphore_mem>>) src(%dma_wait3A_50 : memref<200x128xi32, #tpu.memory_space<hbm>>) dst(%arg5 : memref<200x128xi32, #tpu.memory_space<vmem>>)
      tpu.yield
    }) : () -> ()
    %scan3A = arith.constant 0 : i32
    %scan3A_3 = arith.constant 25 : i32
    %scan3A_4 = arith.addi %scan3A, %scan3A_3 : i32
    %scan3A_5 = arith.constant 1 : i32
    scf.for %scan3A_36 = %scan3A to %scan3A_4 step %scan3A_5  : i32 {
      %mul3A_37 = arith.constant 2 : i32
      %mul3A_38 = arith.muli %scan3A_36, %mul3A_37 : i32
      %add3A_39 = arith.constant 0 : i32
      %add3A_40 = arith.addi %add3A_39, %mul3A_38 : i32
      %add3A_41 = arith.constant 0 : i32
      %add3A_42 = arith.addi %add3A_40, %add3A_41 : i32
      %ge3A = arith.constant 2 : i32
      %ge3A_43 = arith.cmpi sge, %add3A_42, %ge3A : i32
      %convert_element_type3A = arith.extui %ge3A_43 : i1 to i32
      %cond3A = arith.constant 0 : i32
      %cond3A_44 = arith.cmpi ne, %convert_element_type3A, %cond3A : i32
      scf.if %cond3A_44 {
        %sub3A = arith.constant 2 : i32
        %sub3A_371 = arith.subi %add3A_42, %sub3A : i32
        %mul3A_372 = arith.constant 512 : i32
        %mul3A_373 = arith.muli %sub3A_371, %mul3A_372 : i32
        %add3A_374 = arith.addi %mul3A_2, %mul3A_373 : i32
        %dma_wait3A_375 = arith.constant 0 : i32
        %dma_wait3A_376 = arith.constant 0 : i32
        %dma_wait3A_377 = arith.constant 0 : i32
        %dma_wait3A_378 = tpu.memref_slice %arg6[%dma_wait3A_375, %dma_wait3A_376, %dma_wait3A_377] : memref<2x512x64xf32, #tpu.memory_space<vmem>> -> memref<1x512x64xf32, #tpu.memory_space<vmem>>
        %dma_wait3A_379 = tpu.memref_squeeze %dma_wait3A_378 : memref<1x512x64xf32, #tpu.memory_space<vmem>> -> memref<512x64xf32, #tpu.memory_space<vmem>>
        %dma_wait3A_380 = arith.constant 0 : i32
        %dma_wait3A_381 = tpu.memref_slice %arg4[%add3A_374, %dma_wait3A_380] : memref<819200x64xf32, #tpu.memory_space<hbm>> -> memref<512x64xf32, #tpu.memory_space<hbm>>
        %dma_wait3A_382 = arith.constant 0 : i32
        %dma_wait3A_383 = tpu.memref_slice %arg4[%add3A_374, %dma_wait3A_382] : memref<819200x64xf32, #tpu.memory_space<hbm>> -> memref<512x64xf32, #tpu.memory_space<hbm>>
        %dma_wait3A_384 = arith.constant 0 : i32
        %dma_wait3A_385 = arith.constant 0 : i32
        %dma_wait3A_386 = tpu.memref_slice %arg6[%dma_wait3A_375, %dma_wait3A_384, %dma_wait3A_385] : memref<2x512x64xf32, #tpu.memory_space<vmem>> -> memref<1x512x64xf32, #tpu.memory_space<vmem>>
        %dma_wait3A_387 = tpu.memref_squeeze %dma_wait3A_386 : memref<1x512x64xf32, #tpu.memory_space<vmem>> -> memref<512x64xf32, #tpu.memory_space<vmem>>
        tpu.wait_dma2 semaphore(%arg8 : memref<!tpu.dma_semaphore, #tpu.memory_space<semaphore_mem>>) src(%dma_wait3A_387 : memref<512x64xf32, #tpu.memory_space<vmem>>) dst(%dma_wait3A_383 : memref<512x64xf32, #tpu.memory_space<hbm>>)
      } else {
      }
      %mul3A_45 = arith.constant 4 : i32
      %mul3A_46 = arith.muli %add3A_42, %mul3A_45 : i32
      %add3A_47 = arith.constant 0 : i32
      %add3A_48 = arith.addi %mul3A_46, %add3A_47 : i32
      %dma_start3A = arith.constant 0 : i32
      %dma_start3A_49 = arith.constant 0 : i32
      %dma_start3A_50 = arith.constant 0 : i32
      %dma_start3A_51 = tpu.memref_slice %arg6[%dma_start3A, %dma_start3A_49, %dma_start3A_50] : memref<2x512x64xf32, #tpu.memory_space<vmem>> -> memref<1x512x64xf32, #tpu.memory_space<vmem>>
      %dma_start3A_52 = tpu.memref_squeeze %dma_start3A_51 : memref<1x512x64xf32, #tpu.memory_space<vmem>> -> memref<512x64xf32, #tpu.memory_space<vmem>>
      %dma_start3A_53 = arith.constant 0 : i32
      %dma_start3A_54 = arith.constant 0 : i32
      %dma_start3A_55 = tpu.memref_slice %dma_start3A_52[%dma_start3A_53, %dma_start3A_54] : memref<512x64xf32, #tpu.memory_space<vmem>> -> memref<128x64xf32, #tpu.memory_space<vmem>>
      %dma_start3A_56 = arith.constant 0 : i32
      %dma_start3A_57 = tpu.memref_slice %arg5[%add3A_48, %dma_start3A_56] : memref<200x128xi32, #tpu.memory_space<vmem>> -> memref<1x128xi32, #tpu.memory_space<vmem>>
      %dma_start3A_58 = tpu.memref_squeeze %dma_start3A_57 : memref<1x128xi32, #tpu.memory_space<vmem>> -> memref<128xi32, #tpu.memory_space<vmem>>
      %dma_start3A_59 = arith.constant 0 : i32
      %dma_start3A_60 = arith.constant 0 : i32
      %dma_start3A_61 = tpu.memref_slice %arg3[%dma_start3A_59, %dma_start3A_60] : memref<1000000x64xf32, #tpu.memory_space<hbm>> -> memref<1000000x64xf32, #tpu.memory_space<hbm>>
      tpu.enqueue_indirect_dma source(%dma_start3A_61 : memref<1000000x64xf32, #tpu.memory_space<hbm>>) target(%dma_start3A_55 : memref<128x64xf32, #tpu.memory_space<vmem>>) offsets(%dma_start3A_58 : memref<128xi32, #tpu.memory_space<vmem>>) semaphore(%arg7 : memref<!tpu.dma_semaphore, #tpu.memory_space<semaphore_mem>>)
      %mul3A_62 = arith.constant 4 : i32
      %mul3A_63 = arith.muli %add3A_42, %mul3A_62 : i32
      %add3A_64 = arith.constant 1 : i32
      %add3A_65 = arith.addi %mul3A_63, %add3A_64 : i32
      %dma_start3A_66 = arith.constant 0 : i32
      %dma_start3A_67 = arith.constant 0 : i32
      %dma_start3A_68 = arith.constant 0 : i32
      %dma_start3A_69 = tpu.memref_slice %arg6[%dma_start3A_66, %dma_start3A_67, %dma_start3A_68] : memref<2x512x64xf32, #tpu.memory_space<vmem>> -> memref<1x512x64xf32, #tpu.memory_space<vmem>>
      %dma_start3A_70 = tpu.memref_squeeze %dma_start3A_69 : memref<1x512x64xf32, #tpu.memory_space<vmem>> -> memref<512x64xf32, #tpu.memory_space<vmem>>
      %dma_start3A_71 = arith.constant 128 : i32
      %dma_start3A_72 = arith.constant 0 : i32
      %dma_start3A_73 = tpu.memref_slice %dma_start3A_70[%dma_start3A_71, %dma_start3A_72] : memref<512x64xf32, #tpu.memory_space<vmem>> -> memref<128x64xf32, #tpu.memory_space<vmem>>
      %dma_start3A_74 = arith.constant 0 : i32
      %dma_start3A_75 = tpu.memref_slice %arg5[%add3A_65, %dma_start3A_74] : memref<200x128xi32, #tpu.memory_space<vmem>> -> memref<1x128xi32, #tpu.memory_space<vmem>>
      %dma_start3A_76 = tpu.memref_squeeze %dma_start3A_75 : memref<1x128xi32, #tpu.memory_space<vmem>> -> memref<128xi32, #tpu.memory_space<vmem>>
      %dma_start3A_77 = arith.constant 0 : i32
      %dma_start3A_78 = arith.constant 0 : i32
      %dma_start3A_79 = tpu.memref_slice %arg3[%dma_start3A_77, %dma_start3A_78] : memref<1000000x64xf32, #tpu.memory_space<hbm>> -> memref<1000000x64xf32, #tpu.memory_space<hbm>>
      tpu.enqueue_indirect_dma source(%dma_start3A_79 : memref<1000000x64xf32, #tpu.memory_space<hbm>>) target(%dma_start3A_73 : memref<128x64xf32, #tpu.memory_space<vmem>>) offsets(%dma_start3A_76 : memref<128xi32, #tpu.memory_space<vmem>>) semaphore(%arg7 : memref<!tpu.dma_semaphore, #tpu.memory_space<semaphore_mem>>)
      %mul3A_80 = arith.constant 4 : i32
      %mul3A_81 = arith.muli %add3A_42, %mul3A_80 : i32
      %add3A_82 = arith.constant 2 : i32
      %add3A_83 = arith.addi %mul3A_81, %add3A_82 : i32
      %dma_start3A_84 = arith.constant 0 : i32
      %dma_start3A_85 = arith.constant 0 : i32
      %dma_start3A_86 = arith.constant 0 : i32
      %dma_start3A_87 = tpu.memref_slice %arg6[%dma_start3A_84, %dma_start3A_85, %dma_start3A_86] : memref<2x512x64xf32, #tpu.memory_space<vmem>> -> memref<1x512x64xf32, #tpu.memory_space<vmem>>
      %dma_start3A_88 = tpu.memref_squeeze %dma_start3A_87 : memref<1x512x64xf32, #tpu.memory_space<vmem>> -> memref<512x64xf32, #tpu.memory_space<vmem>>
      %dma_start3A_89 = arith.constant 256 : i32
      %dma_start3A_90 = arith.constant 0 : i32
      %dma_start3A_91 = tpu.memref_slice %dma_start3A_88[%dma_start3A_89, %dma_start3A_90] : memref<512x64xf32, #tpu.memory_space<vmem>> -> memref<128x64xf32, #tpu.memory_space<vmem>>
      %dma_start3A_92 = arith.constant 0 : i32
      %dma_start3A_93 = tpu.memref_slice %arg5[%add3A_83, %dma_start3A_92] : memref<200x128xi32, #tpu.memory_space<vmem>> -> memref<1x128xi32, #tpu.memory_space<vmem>>
      %dma_start3A_94 = tpu.memref_squeeze %dma_start3A_93 : memref<1x128xi32, #tpu.memory_space<vmem>> -> memref<128xi32, #tpu.memory_space<vmem>>
      %dma_start3A_95 = arith.constant 0 : i32
      %dma_start3A_96 = arith.constant 0 : i32
      %dma_start3A_97 = tpu.memref_slice %arg3[%dma_start3A_95, %dma_start3A_96] : memref<1000000x64xf32, #tpu.memory_space<hbm>> -> memref<1000000x64xf32, #tpu.memory_space<hbm>>
      tpu.enqueue_indirect_dma source(%dma_start3A_97 : memref<1000000x64xf32, #tpu.memory_space<hbm>>) target(%dma_start3A_91 : memref<128x64xf32, #tpu.memory_space<vmem>>) offsets(%dma_start3A_94 : memref<128xi32, #tpu.memory_space<vmem>>) semaphore(%arg7 : memref<!tpu.dma_semaphore, #tpu.memory_space<semaphore_mem>>)
      %mul3A_98 = arith.constant 4 : i32
      %mul3A_99 = arith.muli %add3A_42, %mul3A_98 : i32
      %add3A_100 = arith.constant 3 : i32
      %add3A_101 = arith.addi %mul3A_99, %add3A_100 : i32
      %dma_start3A_102 = arith.constant 0 : i32
      %dma_start3A_103 = arith.constant 0 : i32
      %dma_start3A_104 = arith.constant 0 : i32
      %dma_start3A_105 = tpu.memref_slice %arg6[%dma_start3A_102, %dma_start3A_103, %dma_start3A_104] : memref<2x512x64xf32, #tpu.memory_space<vmem>> -> memref<1x512x64xf32, #tpu.memory_space<vmem>>
      %dma_start3A_106 = tpu.memref_squeeze %dma_start3A_105 : memref<1x512x64xf32, #tpu.memory_space<vmem>> -> memref<512x64xf32, #tpu.memory_space<vmem>>
      %dma_start3A_107 = arith.constant 384 : i32
      %dma_start3A_108 = arith.constant 0 : i32
      %dma_start3A_109 = tpu.memref_slice %dma_start3A_106[%dma_start3A_107, %dma_start3A_108] : memref<512x64xf32, #tpu.memory_space<vmem>> -> memref<128x64xf32, #tpu.memory_space<vmem>>
      %dma_start3A_110 = arith.constant 0 : i32
      %dma_start3A_111 = tpu.memref_slice %arg5[%add3A_101, %dma_start3A_110] : memref<200x128xi32, #tpu.memory_space<vmem>> -> memref<1x128xi32, #tpu.memory_space<vmem>>
      %dma_start3A_112 = tpu.memref_squeeze %dma_start3A_111 : memref<1x128xi32, #tpu.memory_space<vmem>> -> memref<128xi32, #tpu.memory_space<vmem>>
      %dma_start3A_113 = arith.constant 0 : i32
      %dma_start3A_114 = arith.constant 0 : i32
      %dma_start3A_115 = tpu.memref_slice %arg3[%dma_start3A_113, %dma_start3A_114] : memref<1000000x64xf32, #tpu.memory_space<hbm>> -> memref<1000000x64xf32, #tpu.memory_space<hbm>>
      tpu.enqueue_indirect_dma source(%dma_start3A_115 : memref<1000000x64xf32, #tpu.memory_space<hbm>>) target(%dma_start3A_109 : memref<128x64xf32, #tpu.memory_space<vmem>>) offsets(%dma_start3A_112 : memref<128xi32, #tpu.memory_space<vmem>>) semaphore(%arg7 : memref<!tpu.dma_semaphore, #tpu.memory_space<semaphore_mem>>)
      %mul3A_116 = arith.constant 4 : i32
      %mul3A_117 = arith.muli %add3A_42, %mul3A_116 : i32
      %add3A_118 = arith.constant 0 : i32
      %add3A_119 = arith.addi %mul3A_117, %add3A_118 : i32
      %dma_wait3A_120 = arith.constant 0 : i32
      %dma_wait3A_121 = arith.constant 0 : i32
      %dma_wait3A_122 = arith.constant 0 : i32
      %dma_wait3A_123 = tpu.memref_slice %arg6[%dma_wait3A_120, %dma_wait3A_121, %dma_wait3A_122] : memref<2x512x64xf32, #tpu.memory_space<vmem>> -> memref<1x512x64xf32, #tpu.memory_space<vmem>>
      %dma_wait3A_124 = tpu.memref_squeeze %dma_wait3A_123 : memref<1x512x64xf32, #tpu.memory_space<vmem>> -> memref<512x64xf32, #tpu.memory_space<vmem>>
      %dma_wait3A_125 = arith.constant 0 : i32
      %dma_wait3A_126 = arith.constant 0 : i32
      %dma_wait3A_127 = tpu.memref_slice %dma_wait3A_124[%dma_wait3A_125, %dma_wait3A_126] : memref<512x64xf32, #tpu.memory_space<vmem>> -> memref<128x64xf32, #tpu.memory_space<vmem>>
      %dma_wait3A_128 = arith.constant 0 : i32
      %dma_wait3A_129 = tpu.memref_slice %arg5[%add3A_119, %dma_wait3A_128] : memref<200x128xi32, #tpu.memory_space<vmem>> -> memref<1x128xi32, #tpu.memory_space<vmem>>
      %dma_wait3A_130 = tpu.memref_squeeze %dma_wait3A_129 : memref<1x128xi32, #tpu.memory_space<vmem>> -> memref<128xi32, #tpu.memory_space<vmem>>
      %dma_wait3A_131 = arith.constant 0 : i32
      %dma_wait3A_132 = arith.constant 0 : i32
      %dma_wait3A_133 = tpu.memref_slice %arg3[%dma_wait3A_131, %dma_wait3A_132] : memref<1000000x64xf32, #tpu.memory_space<hbm>> -> memref<1000000x64xf32, #tpu.memory_space<hbm>>
      tpu.wait_indirect_dma semaphore(%arg7 : memref<!tpu.dma_semaphore, #tpu.memory_space<semaphore_mem>>) src(%dma_wait3A_133 : memref<1000000x64xf32, #tpu.memory_space<hbm>>) dst(%dma_wait3A_127 : memref<128x64xf32, #tpu.memory_space<vmem>>)
      %mul3A_134 = arith.constant 4 : i32
      %mul3A_135 = arith.muli %add3A_42, %mul3A_134 : i32
      %add3A_136 = arith.constant 1 : i32
      %add3A_137 = arith.addi %mul3A_135, %add3A_136 : i32
      %dma_wait3A_138 = arith.constant 0 : i32
      %dma_wait3A_139 = arith.constant 0 : i32
      %dma_wait3A_140 = arith.constant 0 : i32
      %dma_wait3A_141 = tpu.memref_slice %arg6[%dma_wait3A_138, %dma_wait3A_139, %dma_wait3A_140] : memref<2x512x64xf32, #tpu.memory_space<vmem>> -> memref<1x512x64xf32, #tpu.memory_space<vmem>>
      %dma_wait3A_142 = tpu.memref_squeeze %dma_wait3A_141 : memref<1x512x64xf32, #tpu.memory_space<vmem>> -> memref<512x64xf32, #tpu.memory_space<vmem>>
      %dma_wait3A_143 = arith.constant 128 : i32
      %dma_wait3A_144 = arith.constant 0 : i32
      %dma_wait3A_145 = tpu.memref_slice %dma_wait3A_142[%dma_wait3A_143, %dma_wait3A_144] : memref<512x64xf32, #tpu.memory_space<vmem>> -> memref<128x64xf32, #tpu.memory_space<vmem>>
      %dma_wait3A_146 = arith.constant 0 : i32
      %dma_wait3A_147 = tpu.memref_slice %arg5[%add3A_137, %dma_wait3A_146] : memref<200x128xi32, #tpu.memory_space<vmem>> -> memref<1x128xi32, #tpu.memory_space<vmem>>
      %dma_wait3A_148 = tpu.memref_squeeze %dma_wait3A_147 : memref<1x128xi32, #tpu.memory_space<vmem>> -> memref<128xi32, #tpu.memory_space<vmem>>
      %dma_wait3A_149 = arith.constant 0 : i32
      %dma_wait3A_150 = arith.constant 0 : i32
      %dma_wait3A_151 = tpu.memref_slice %arg3[%dma_wait3A_149, %dma_wait3A_150] : memref<1000000x64xf32, #tpu.memory_space<hbm>> -> memref<1000000x64xf32, #tpu.memory_space<hbm>>
      tpu.wait_indirect_dma semaphore(%arg7 : memref<!tpu.dma_semaphore, #tpu.memory_space<semaphore_mem>>) src(%dma_wait3A_151 : memref<1000000x64xf32, #tpu.memory_space<hbm>>) dst(%dma_wait3A_145 : memref<128x64xf32, #tpu.memory_space<vmem>>)
      %mul3A_152 = arith.constant 4 : i32
      %mul3A_153 = arith.muli %add3A_42, %mul3A_152 : i32
      %add3A_154 = arith.constant 2 : i32
      %add3A_155 = arith.addi %mul3A_153, %add3A_154 : i32
      %dma_wait3A_156 = arith.constant 0 : i32
      %dma_wait3A_157 = arith.constant 0 : i32
      %dma_wait3A_158 = arith.constant 0 : i32
      %dma_wait3A_159 = tpu.memref_slice %arg6[%dma_wait3A_156, %dma_wait3A_157, %dma_wait3A_158] : memref<2x512x64xf32, #tpu.memory_space<vmem>> -> memref<1x512x64xf32, #tpu.memory_space<vmem>>
      %dma_wait3A_160 = tpu.memref_squeeze %dma_wait3A_159 : memref<1x512x64xf32, #tpu.memory_space<vmem>> -> memref<512x64xf32, #tpu.memory_space<vmem>>
      %dma_wait3A_161 = arith.constant 256 : i32
      %dma_wait3A_162 = arith.constant 0 : i32
      %dma_wait3A_163 = tpu.memref_slice %dma_wait3A_160[%dma_wait3A_161, %dma_wait3A_162] : memref<512x64xf32, #tpu.memory_space<vmem>> -> memref<128x64xf32, #tpu.memory_space<vmem>>
      %dma_wait3A_164 = arith.constant 0 : i32
      %dma_wait3A_165 = tpu.memref_slice %arg5[%add3A_155, %dma_wait3A_164] : memref<200x128xi32, #tpu.memory_space<vmem>> -> memref<1x128xi32, #tpu.memory_space<vmem>>
      %dma_wait3A_166 = tpu.memref_squeeze %dma_wait3A_165 : memref<1x128xi32, #tpu.memory_space<vmem>> -> memref<128xi32, #tpu.memory_space<vmem>>
      %dma_wait3A_167 = arith.constant 0 : i32
      %dma_wait3A_168 = arith.constant 0 : i32
      %dma_wait3A_169 = tpu.memref_slice %arg3[%dma_wait3A_167, %dma_wait3A_168] : memref<1000000x64xf32, #tpu.memory_space<hbm>> -> memref<1000000x64xf32, #tpu.memory_space<hbm>>
      tpu.wait_indirect_dma semaphore(%arg7 : memref<!tpu.dma_semaphore, #tpu.memory_space<semaphore_mem>>) src(%dma_wait3A_169 : memref<1000000x64xf32, #tpu.memory_space<hbm>>) dst(%dma_wait3A_163 : memref<128x64xf32, #tpu.memory_space<vmem>>)
      %mul3A_170 = arith.constant 4 : i32
      %mul3A_171 = arith.muli %add3A_42, %mul3A_170 : i32
      %add3A_172 = arith.constant 3 : i32
      %add3A_173 = arith.addi %mul3A_171, %add3A_172 : i32
      %dma_wait3A_174 = arith.constant 0 : i32
      %dma_wait3A_175 = arith.constant 0 : i32
      %dma_wait3A_176 = arith.constant 0 : i32
      %dma_wait3A_177 = tpu.memref_slice %arg6[%dma_wait3A_174, %dma_wait3A_175, %dma_wait3A_176] : memref<2x512x64xf32, #tpu.memory_space<vmem>> -> memref<1x512x64xf32, #tpu.memory_space<vmem>>
      %dma_wait3A_178 = tpu.memref_squeeze %dma_wait3A_177 : memref<1x512x64xf32, #tpu.memory_space<vmem>> -> memref<512x64xf32, #tpu.memory_space<vmem>>
      %dma_wait3A_179 = arith.constant 384 : i32
      %dma_wait3A_180 = arith.constant 0 : i32
      %dma_wait3A_181 = tpu.memref_slice %dma_wait3A_178[%dma_wait3A_179, %dma_wait3A_180] : memref<512x64xf32, #tpu.memory_space<vmem>> -> memref<128x64xf32, #tpu.memory_space<vmem>>
      %dma_wait3A_182 = arith.constant 0 : i32
      %dma_wait3A_183 = tpu.memref_slice %arg5[%add3A_173, %dma_wait3A_182] : memref<200x128xi32, #tpu.memory_space<vmem>> -> memref<1x128xi32, #tpu.memory_space<vmem>>
      %dma_wait3A_184 = tpu.memref_squeeze %dma_wait3A_183 : memref<1x128xi32, #tpu.memory_space<vmem>> -> memref<128xi32, #tpu.memory_space<vmem>>
      %dma_wait3A_185 = arith.constant 0 : i32
      %dma_wait3A_186 = arith.constant 0 : i32
      %dma_wait3A_187 = tpu.memref_slice %arg3[%dma_wait3A_185, %dma_wait3A_186] : memref<1000000x64xf32, #tpu.memory_space<hbm>> -> memref<1000000x64xf32, #tpu.memory_space<hbm>>
      tpu.wait_indirect_dma semaphore(%arg7 : memref<!tpu.dma_semaphore, #tpu.memory_space<semaphore_mem>>) src(%dma_wait3A_187 : memref<1000000x64xf32, #tpu.memory_space<hbm>>) dst(%dma_wait3A_181 : memref<128x64xf32, #tpu.memory_space<vmem>>)
      %mul3A_188 = arith.constant 512 : i32
      %mul3A_189 = arith.muli %add3A_42, %mul3A_188 : i32
      %add3A_190 = arith.addi %mul3A_2, %mul3A_189 : i32
      %dma_start3A_191 = arith.constant 0 : i32
      %dma_start3A_192 = arith.constant 0 : i32
      %dma_start3A_193 = arith.constant 0 : i32
      %dma_start3A_194 = tpu.memref_slice %arg6[%dma_start3A_191, %dma_start3A_192, %dma_start3A_193] : memref<2x512x64xf32, #tpu.memory_space<vmem>> -> memref<1x512x64xf32, #tpu.memory_space<vmem>>
      %dma_start3A_195 = tpu.memref_squeeze %dma_start3A_194 : memref<1x512x64xf32, #tpu.memory_space<vmem>> -> memref<512x64xf32, #tpu.memory_space<vmem>>
      %dma_start3A_196 = arith.constant 0 : i32
      %dma_start3A_197 = tpu.memref_slice %arg4[%add3A_190, %dma_start3A_196] : memref<819200x64xf32, #tpu.memory_space<hbm>> -> memref<512x64xf32, #tpu.memory_space<hbm>>
      %dma_start3A_198 = arith.constant 0 : i32
      %dma_start3A_199 = tpu.memref_slice %arg4[%add3A_190, %dma_start3A_198] : memref<819200x64xf32, #tpu.memory_space<hbm>> -> memref<512x64xf32, #tpu.memory_space<hbm>>
      %dma_start3A_200 = arith.constant 0 : i32
      %dma_start3A_201 = arith.constant 0 : i32
      %dma_start3A_202 = tpu.memref_slice %arg6[%dma_start3A_191, %dma_start3A_200, %dma_start3A_201] : memref<2x512x64xf32, #tpu.memory_space<vmem>> -> memref<1x512x64xf32, #tpu.memory_space<vmem>>
      %dma_start3A_203 = tpu.memref_squeeze %dma_start3A_202 : memref<1x512x64xf32, #tpu.memory_space<vmem>> -> memref<512x64xf32, #tpu.memory_space<vmem>>
      tpu.enqueue_dma source(%dma_start3A_203 : memref<512x64xf32, #tpu.memory_space<vmem>>) target(%dma_start3A_199 : memref<512x64xf32, #tpu.memory_space<hbm>>) target_semaphore(%arg8 : memref<!tpu.dma_semaphore, #tpu.memory_space<semaphore_mem>>)
      %add3A_204 = arith.constant 1 : i32
      %add3A_205 = arith.addi %add3A_40, %add3A_204 : i32
      %ge3A_206 = arith.constant 2 : i32
      %ge3A_207 = arith.cmpi sge, %add3A_205, %ge3A_206 : i32
      %convert_element_type3A_208 = arith.extui %ge3A_207 : i1 to i32
      %cond3A_209 = arith.constant 0 : i32
      %cond3A_210 = arith.cmpi ne, %convert_element_type3A_208, %cond3A_209 : i32
      scf.if %cond3A_210 {
        %sub3A = arith.constant 2 : i32
        %sub3A_371 = arith.subi %add3A_205, %sub3A : i32
        %mul3A_372 = arith.constant 512 : i32
        %mul3A_373 = arith.muli %sub3A_371, %mul3A_372 : i32
        %add3A_374 = arith.addi %mul3A_2, %mul3A_373 : i32
        %dma_wait3A_375 = arith.constant 1 : i32
        %dma_wait3A_376 = arith.constant 0 : i32
        %dma_wait3A_377 = arith.constant 0 : i32
        %dma_wait3A_378 = tpu.memref_slice %arg6[%dma_wait3A_375, %dma_wait3A_376, %dma_wait3A_377] : memref<2x512x64xf32, #tpu.memory_space<vmem>> -> memref<1x512x64xf32, #tpu.memory_space<vmem>>
        %dma_wait3A_379 = tpu.memref_squeeze %dma_wait3A_378 : memref<1x512x64xf32, #tpu.memory_space<vmem>> -> memref<512x64xf32, #tpu.memory_space<vmem>>
        %dma_wait3A_380 = arith.constant 0 : i32
        %dma_wait3A_381 = tpu.memref_slice %arg4[%add3A_374, %dma_wait3A_380] : memref<819200x64xf32, #tpu.memory_space<hbm>> -> memref<512x64xf32, #tpu.memory_space<hbm>>
        %dma_wait3A_382 = arith.constant 0 : i32
        %dma_wait3A_383 = tpu.memref_slice %arg4[%add3A_374, %dma_wait3A_382] : memref<819200x64xf32, #tpu.memory_space<hbm>> -> memref<512x64xf32, #tpu.memory_space<hbm>>
        %dma_wait3A_384 = arith.constant 0 : i32
        %dma_wait3A_385 = arith.constant 0 : i32
        %dma_wait3A_386 = tpu.memref_slice %arg6[%dma_wait3A_375, %dma_wait3A_384, %dma_wait3A_385] : memref<2x512x64xf32, #tpu.memory_space<vmem>> -> memref<1x512x64xf32, #tpu.memory_space<vmem>>
        %dma_wait3A_387 = tpu.memref_squeeze %dma_wait3A_386 : memref<1x512x64xf32, #tpu.memory_space<vmem>> -> memref<512x64xf32, #tpu.memory_space<vmem>>
        tpu.wait_dma2 semaphore(%arg8 : memref<!tpu.dma_semaphore, #tpu.memory_space<semaphore_mem>>) src(%dma_wait3A_387 : memref<512x64xf32, #tpu.memory_space<vmem>>) dst(%dma_wait3A_383 : memref<512x64xf32, #tpu.memory_space<hbm>>)
      } else {
      }
      %mul3A_211 = arith.constant 4 : i32
      %mul3A_212 = arith.muli %add3A_205, %mul3A_211 : i32
      %add3A_213 = arith.constant 0 : i32
      %add3A_214 = arith.addi %mul3A_212, %add3A_213 : i32
      %dma_start3A_215 = arith.constant 1 : i32
      %dma_start3A_216 = arith.constant 0 : i32
      %dma_start3A_217 = arith.constant 0 : i32
      %dma_start3A_218 = tpu.memref_slice %arg6[%dma_start3A_215, %dma_start3A_216, %dma_start3A_217] : memref<2x512x64xf32, #tpu.memory_space<vmem>> -> memref<1x512x64xf32, #tpu.memory_space<vmem>>
      %dma_start3A_219 = tpu.memref_squeeze %dma_start3A_218 : memref<1x512x64xf32, #tpu.memory_space<vmem>> -> memref<512x64xf32, #tpu.memory_space<vmem>>
      %dma_start3A_220 = arith.constant 0 : i32
      %dma_start3A_221 = arith.constant 0 : i32
      %dma_start3A_222 = tpu.memref_slice %dma_start3A_219[%dma_start3A_220, %dma_start3A_221] : memref<512x64xf32, #tpu.memory_space<vmem>> -> memref<128x64xf32, #tpu.memory_space<vmem>>
      %dma_start3A_223 = arith.constant 0 : i32
      %dma_start3A_224 = tpu.memref_slice %arg5[%add3A_214, %dma_start3A_223] : memref<200x128xi32, #tpu.memory_space<vmem>> -> memref<1x128xi32, #tpu.memory_space<vmem>>
      %dma_start3A_225 = tpu.memref_squeeze %dma_start3A_224 : memref<1x128xi32, #tpu.memory_space<vmem>> -> memref<128xi32, #tpu.memory_space<vmem>>
      %dma_start3A_226 = arith.constant 0 : i32
      %dma_start3A_227 = arith.constant 0 : i32
      %dma_start3A_228 = tpu.memref_slice %arg3[%dma_start3A_226, %dma_start3A_227] : memref<1000000x64xf32, #tpu.memory_space<hbm>> -> memref<1000000x64xf32, #tpu.memory_space<hbm>>
      tpu.enqueue_indirect_dma source(%dma_start3A_228 : memref<1000000x64xf32, #tpu.memory_space<hbm>>) target(%dma_start3A_222 : memref<128x64xf32, #tpu.memory_space<vmem>>) offsets(%dma_start3A_225 : memref<128xi32, #tpu.memory_space<vmem>>) semaphore(%arg7 : memref<!tpu.dma_semaphore, #tpu.memory_space<semaphore_mem>>)
      %mul3A_229 = arith.constant 4 : i32
      %mul3A_230 = arith.muli %add3A_205, %mul3A_229 : i32
      %add3A_231 = arith.constant 1 : i32
      %add3A_232 = arith.addi %mul3A_230, %add3A_231 : i32
      %dma_start3A_233 = arith.constant 1 : i32
      %dma_start3A_234 = arith.constant 0 : i32
      %dma_start3A_235 = arith.constant 0 : i32
      %dma_start3A_236 = tpu.memref_slice %arg6[%dma_start3A_233, %dma_start3A_234, %dma_start3A_235] : memref<2x512x64xf32, #tpu.memory_space<vmem>> -> memref<1x512x64xf32, #tpu.memory_space<vmem>>
      %dma_start3A_237 = tpu.memref_squeeze %dma_start3A_236 : memref<1x512x64xf32, #tpu.memory_space<vmem>> -> memref<512x64xf32, #tpu.memory_space<vmem>>
      %dma_start3A_238 = arith.constant 128 : i32
      %dma_start3A_239 = arith.constant 0 : i32
      %dma_start3A_240 = tpu.memref_slice %dma_start3A_237[%dma_start3A_238, %dma_start3A_239] : memref<512x64xf32, #tpu.memory_space<vmem>> -> memref<128x64xf32, #tpu.memory_space<vmem>>
      %dma_start3A_241 = arith.constant 0 : i32
      %dma_start3A_242 = tpu.memref_slice %arg5[%add3A_232, %dma_start3A_241] : memref<200x128xi32, #tpu.memory_space<vmem>> -> memref<1x128xi32, #tpu.memory_space<vmem>>
      %dma_start3A_243 = tpu.memref_squeeze %dma_start3A_242 : memref<1x128xi32, #tpu.memory_space<vmem>> -> memref<128xi32, #tpu.memory_space<vmem>>
      %dma_start3A_244 = arith.constant 0 : i32
      %dma_start3A_245 = arith.constant 0 : i32
      %dma_start3A_246 = tpu.memref_slice %arg3[%dma_start3A_244, %dma_start3A_245] : memref<1000000x64xf32, #tpu.memory_space<hbm>> -> memref<1000000x64xf32, #tpu.memory_space<hbm>>
      tpu.enqueue_indirect_dma source(%dma_start3A_246 : memref<1000000x64xf32, #tpu.memory_space<hbm>>) target(%dma_start3A_240 : memref<128x64xf32, #tpu.memory_space<vmem>>) offsets(%dma_start3A_243 : memref<128xi32, #tpu.memory_space<vmem>>) semaphore(%arg7 : memref<!tpu.dma_semaphore, #tpu.memory_space<semaphore_mem>>)
      %mul3A_247 = arith.constant 4 : i32
      %mul3A_248 = arith.muli %add3A_205, %mul3A_247 : i32
      %add3A_249 = arith.constant 2 : i32
      %add3A_250 = arith.addi %mul3A_248, %add3A_249 : i32
      %dma_start3A_251 = arith.constant 1 : i32
      %dma_start3A_252 = arith.constant 0 : i32
      %dma_start3A_253 = arith.constant 0 : i32
      %dma_start3A_254 = tpu.memref_slice %arg6[%dma_start3A_251, %dma_start3A_252, %dma_start3A_253] : memref<2x512x64xf32, #tpu.memory_space<vmem>> -> memref<1x512x64xf32, #tpu.memory_space<vmem>>
      %dma_start3A_255 = tpu.memref_squeeze %dma_start3A_254 : memref<1x512x64xf32, #tpu.memory_space<vmem>> -> memref<512x64xf32, #tpu.memory_space<vmem>>
      %dma_start3A_256 = arith.constant 256 : i32
      %dma_start3A_257 = arith.constant 0 : i32
      %dma_start3A_258 = tpu.memref_slice %dma_start3A_255[%dma_start3A_256, %dma_start3A_257] : memref<512x64xf32, #tpu.memory_space<vmem>> -> memref<128x64xf32, #tpu.memory_space<vmem>>
      %dma_start3A_259 = arith.constant 0 : i32
      %dma_start3A_260 = tpu.memref_slice %arg5[%add3A_250, %dma_start3A_259] : memref<200x128xi32, #tpu.memory_space<vmem>> -> memref<1x128xi32, #tpu.memory_space<vmem>>
      %dma_start3A_261 = tpu.memref_squeeze %dma_start3A_260 : memref<1x128xi32, #tpu.memory_space<vmem>> -> memref<128xi32, #tpu.memory_space<vmem>>
      %dma_start3A_262 = arith.constant 0 : i32
      %dma_start3A_263 = arith.constant 0 : i32
      %dma_start3A_264 = tpu.memref_slice %arg3[%dma_start3A_262, %dma_start3A_263] : memref<1000000x64xf32, #tpu.memory_space<hbm>> -> memref<1000000x64xf32, #tpu.memory_space<hbm>>
      tpu.enqueue_indirect_dma source(%dma_start3A_264 : memref<1000000x64xf32, #tpu.memory_space<hbm>>) target(%dma_start3A_258 : memref<128x64xf32, #tpu.memory_space<vmem>>) offsets(%dma_start3A_261 : memref<128xi32, #tpu.memory_space<vmem>>) semaphore(%arg7 : memref<!tpu.dma_semaphore, #tpu.memory_space<semaphore_mem>>)
      %mul3A_265 = arith.constant 4 : i32
      %mul3A_266 = arith.muli %add3A_205, %mul3A_265 : i32
      %add3A_267 = arith.constant 3 : i32
      %add3A_268 = arith.addi %mul3A_266, %add3A_267 : i32
      %dma_start3A_269 = arith.constant 1 : i32
      %dma_start3A_270 = arith.constant 0 : i32
      %dma_start3A_271 = arith.constant 0 : i32
      %dma_start3A_272 = tpu.memref_slice %arg6[%dma_start3A_269, %dma_start3A_270, %dma_start3A_271] : memref<2x512x64xf32, #tpu.memory_space<vmem>> -> memref<1x512x64xf32, #tpu.memory_space<vmem>>
      %dma_start3A_273 = tpu.memref_squeeze %dma_start3A_272 : memref<1x512x64xf32, #tpu.memory_space<vmem>> -> memref<512x64xf32, #tpu.memory_space<vmem>>
      %dma_start3A_274 = arith.constant 384 : i32
      %dma_start3A_275 = arith.constant 0 : i32
      %dma_start3A_276 = tpu.memref_slice %dma_start3A_273[%dma_start3A_274, %dma_start3A_275] : memref<512x64xf32, #tpu.memory_space<vmem>> -> memref<128x64xf32, #tpu.memory_space<vmem>>
      %dma_start3A_277 = arith.constant 0 : i32
      %dma_start3A_278 = tpu.memref_slice %arg5[%add3A_268, %dma_start3A_277] : memref<200x128xi32, #tpu.memory_space<vmem>> -> memref<1x128xi32, #tpu.memory_space<vmem>>
      %dma_start3A_279 = tpu.memref_squeeze %dma_start3A_278 : memref<1x128xi32, #tpu.memory_space<vmem>> -> memref<128xi32, #tpu.memory_space<vmem>>
      %dma_start3A_280 = arith.constant 0 : i32
      %dma_start3A_281 = arith.constant 0 : i32
      %dma_start3A_282 = tpu.memref_slice %arg3[%dma_start3A_280, %dma_start3A_281] : memref<1000000x64xf32, #tpu.memory_space<hbm>> -> memref<1000000x64xf32, #tpu.memory_space<hbm>>
      tpu.enqueue_indirect_dma source(%dma_start3A_282 : memref<1000000x64xf32, #tpu.memory_space<hbm>>) target(%dma_start3A_276 : memref<128x64xf32, #tpu.memory_space<vmem>>) offsets(%dma_start3A_279 : memref<128xi32, #tpu.memory_space<vmem>>) semaphore(%arg7 : memref<!tpu.dma_semaphore, #tpu.memory_space<semaphore_mem>>)
      %mul3A_283 = arith.constant 4 : i32
      %mul3A_284 = arith.muli %add3A_205, %mul3A_283 : i32
      %add3A_285 = arith.constant 0 : i32
      %add3A_286 = arith.addi %mul3A_284, %add3A_285 : i32
      %dma_wait3A_287 = arith.constant 1 : i32
      %dma_wait3A_288 = arith.constant 0 : i32
      %dma_wait3A_289 = arith.constant 0 : i32
      %dma_wait3A_290 = tpu.memref_slice %arg6[%dma_wait3A_287, %dma_wait3A_288, %dma_wait3A_289] : memref<2x512x64xf32, #tpu.memory_space<vmem>> -> memref<1x512x64xf32, #tpu.memory_space<vmem>>
      %dma_wait3A_291 = tpu.memref_squeeze %dma_wait3A_290 : memref<1x512x64xf32, #tpu.memory_space<vmem>> -> memref<512x64xf32, #tpu.memory_space<vmem>>
      %dma_wait3A_292 = arith.constant 0 : i32
      %dma_wait3A_293 = arith.constant 0 : i32
      %dma_wait3A_294 = tpu.memref_slice %dma_wait3A_291[%dma_wait3A_292, %dma_wait3A_293] : memref<512x64xf32, #tpu.memory_space<vmem>> -> memref<128x64xf32, #tpu.memory_space<vmem>>
      %dma_wait3A_295 = arith.constant 0 : i32
      %dma_wait3A_296 = tpu.memref_slice %arg5[%add3A_286, %dma_wait3A_295] : memref<200x128xi32, #tpu.memory_space<vmem>> -> memref<1x128xi32, #tpu.memory_space<vmem>>
      %dma_wait3A_297 = tpu.memref_squeeze %dma_wait3A_296 : memref<1x128xi32, #tpu.memory_space<vmem>> -> memref<128xi32, #tpu.memory_space<vmem>>
      %dma_wait3A_298 = arith.constant 0 : i32
      %dma_wait3A_299 = arith.constant 0 : i32
      %dma_wait3A_300 = tpu.memref_slice %arg3[%dma_wait3A_298, %dma_wait3A_299] : memref<1000000x64xf32, #tpu.memory_space<hbm>> -> memref<1000000x64xf32, #tpu.memory_space<hbm>>
      tpu.wait_indirect_dma semaphore(%arg7 : memref<!tpu.dma_semaphore, #tpu.memory_space<semaphore_mem>>) src(%dma_wait3A_300 : memref<1000000x64xf32, #tpu.memory_space<hbm>>) dst(%dma_wait3A_294 : memref<128x64xf32, #tpu.memory_space<vmem>>)
      %mul3A_301 = arith.constant 4 : i32
      %mul3A_302 = arith.muli %add3A_205, %mul3A_301 : i32
      %add3A_303 = arith.constant 1 : i32
      %add3A_304 = arith.addi %mul3A_302, %add3A_303 : i32
      %dma_wait3A_305 = arith.constant 1 : i32
      %dma_wait3A_306 = arith.constant 0 : i32
      %dma_wait3A_307 = arith.constant 0 : i32
      %dma_wait3A_308 = tpu.memref_slice %arg6[%dma_wait3A_305, %dma_wait3A_306, %dma_wait3A_307] : memref<2x512x64xf32, #tpu.memory_space<vmem>> -> memref<1x512x64xf32, #tpu.memory_space<vmem>>
      %dma_wait3A_309 = tpu.memref_squeeze %dma_wait3A_308 : memref<1x512x64xf32, #tpu.memory_space<vmem>> -> memref<512x64xf32, #tpu.memory_space<vmem>>
      %dma_wait3A_310 = arith.constant 128 : i32
      %dma_wait3A_311 = arith.constant 0 : i32
      %dma_wait3A_312 = tpu.memref_slice %dma_wait3A_309[%dma_wait3A_310, %dma_wait3A_311] : memref<512x64xf32, #tpu.memory_space<vmem>> -> memref<128x64xf32, #tpu.memory_space<vmem>>
      %dma_wait3A_313 = arith.constant 0 : i32
      %dma_wait3A_314 = tpu.memref_slice %arg5[%add3A_304, %dma_wait3A_313] : memref<200x128xi32, #tpu.memory_space<vmem>> -> memref<1x128xi32, #tpu.memory_space<vmem>>
      %dma_wait3A_315 = tpu.memref_squeeze %dma_wait3A_314 : memref<1x128xi32, #tpu.memory_space<vmem>> -> memref<128xi32, #tpu.memory_space<vmem>>
      %dma_wait3A_316 = arith.constant 0 : i32
      %dma_wait3A_317 = arith.constant 0 : i32
      %dma_wait3A_318 = tpu.memref_slice %arg3[%dma_wait3A_316, %dma_wait3A_317] : memref<1000000x64xf32, #tpu.memory_space<hbm>> -> memref<1000000x64xf32, #tpu.memory_space<hbm>>
      tpu.wait_indirect_dma semaphore(%arg7 : memref<!tpu.dma_semaphore, #tpu.memory_space<semaphore_mem>>) src(%dma_wait3A_318 : memref<1000000x64xf32, #tpu.memory_space<hbm>>) dst(%dma_wait3A_312 : memref<128x64xf32, #tpu.memory_space<vmem>>)
      %mul3A_319 = arith.constant 4 : i32
      %mul3A_320 = arith.muli %add3A_205, %mul3A_319 : i32
      %add3A_321 = arith.constant 2 : i32
      %add3A_322 = arith.addi %mul3A_320, %add3A_321 : i32
      %dma_wait3A_323 = arith.constant 1 : i32
      %dma_wait3A_324 = arith.constant 0 : i32
      %dma_wait3A_325 = arith.constant 0 : i32
      %dma_wait3A_326 = tpu.memref_slice %arg6[%dma_wait3A_323, %dma_wait3A_324, %dma_wait3A_325] : memref<2x512x64xf32, #tpu.memory_space<vmem>> -> memref<1x512x64xf32, #tpu.memory_space<vmem>>
      %dma_wait3A_327 = tpu.memref_squeeze %dma_wait3A_326 : memref<1x512x64xf32, #tpu.memory_space<vmem>> -> memref<512x64xf32, #tpu.memory_space<vmem>>
      %dma_wait3A_328 = arith.constant 256 : i32
      %dma_wait3A_329 = arith.constant 0 : i32
      %dma_wait3A_330 = tpu.memref_slice %dma_wait3A_327[%dma_wait3A_328, %dma_wait3A_329] : memref<512x64xf32, #tpu.memory_space<vmem>> -> memref<128x64xf32, #tpu.memory_space<vmem>>
      %dma_wait3A_331 = arith.constant 0 : i32
      %dma_wait3A_332 = tpu.memref_slice %arg5[%add3A_322, %dma_wait3A_331] : memref<200x128xi32, #tpu.memory_space<vmem>> -> memref<1x128xi32, #tpu.memory_space<vmem>>
      %dma_wait3A_333 = tpu.memref_squeeze %dma_wait3A_332 : memref<1x128xi32, #tpu.memory_space<vmem>> -> memref<128xi32, #tpu.memory_space<vmem>>
      %dma_wait3A_334 = arith.constant 0 : i32
      %dma_wait3A_335 = arith.constant 0 : i32
      %dma_wait3A_336 = tpu.memref_slice %arg3[%dma_wait3A_334, %dma_wait3A_335] : memref<1000000x64xf32, #tpu.memory_space<hbm>> -> memref<1000000x64xf32, #tpu.memory_space<hbm>>
      tpu.wait_indirect_dma semaphore(%arg7 : memref<!tpu.dma_semaphore, #tpu.memory_space<semaphore_mem>>) src(%dma_wait3A_336 : memref<1000000x64xf32, #tpu.memory_space<hbm>>) dst(%dma_wait3A_330 : memref<128x64xf32, #tpu.memory_space<vmem>>)
      %mul3A_337 = arith.constant 4 : i32
      %mul3A_338 = arith.muli %add3A_205, %mul3A_337 : i32
      %add3A_339 = arith.constant 3 : i32
      %add3A_340 = arith.addi %mul3A_338, %add3A_339 : i32
      %dma_wait3A_341 = arith.constant 1 : i32
      %dma_wait3A_342 = arith.constant 0 : i32
      %dma_wait3A_343 = arith.constant 0 : i32
      %dma_wait3A_344 = tpu.memref_slice %arg6[%dma_wait3A_341, %dma_wait3A_342, %dma_wait3A_343] : memref<2x512x64xf32, #tpu.memory_space<vmem>> -> memref<1x512x64xf32, #tpu.memory_space<vmem>>
      %dma_wait3A_345 = tpu.memref_squeeze %dma_wait3A_344 : memref<1x512x64xf32, #tpu.memory_space<vmem>> -> memref<512x64xf32, #tpu.memory_space<vmem>>
      %dma_wait3A_346 = arith.constant 384 : i32
      %dma_wait3A_347 = arith.constant 0 : i32
      %dma_wait3A_348 = tpu.memref_slice %dma_wait3A_345[%dma_wait3A_346, %dma_wait3A_347] : memref<512x64xf32, #tpu.memory_space<vmem>> -> memref<128x64xf32, #tpu.memory_space<vmem>>
      %dma_wait3A_349 = arith.constant 0 : i32
      %dma_wait3A_350 = tpu.memref_slice %arg5[%add3A_340, %dma_wait3A_349] : memref<200x128xi32, #tpu.memory_space<vmem>> -> memref<1x128xi32, #tpu.memory_space<vmem>>
      %dma_wait3A_351 = tpu.memref_squeeze %dma_wait3A_350 : memref<1x128xi32, #tpu.memory_space<vmem>> -> memref<128xi32, #tpu.memory_space<vmem>>
      %dma_wait3A_352 = arith.constant 0 : i32
      %dma_wait3A_353 = arith.constant 0 : i32
      %dma_wait3A_354 = tpu.memref_slice %arg3[%dma_wait3A_352, %dma_wait3A_353] : memref<1000000x64xf32, #tpu.memory_space<hbm>> -> memref<1000000x64xf32, #tpu.memory_space<hbm>>
      tpu.wait_indirect_dma semaphore(%arg7 : memref<!tpu.dma_semaphore, #tpu.memory_space<semaphore_mem>>) src(%dma_wait3A_354 : memref<1000000x64xf32, #tpu.memory_space<hbm>>) dst(%dma_wait3A_348 : memref<128x64xf32, #tpu.memory_space<vmem>>)
      %mul3A_355 = arith.constant 512 : i32
      %mul3A_356 = arith.muli %add3A_205, %mul3A_355 : i32
      %add3A_357 = arith.addi %mul3A_2, %mul3A_356 : i32
      %dma_start3A_358 = arith.constant 1 : i32
      %dma_start3A_359 = arith.constant 0 : i32
      %dma_start3A_360 = arith.constant 0 : i32
      %dma_start3A_361 = tpu.memref_slice %arg6[%dma_start3A_358, %dma_start3A_359, %dma_start3A_360] : memref<2x512x64xf32, #tpu.memory_space<vmem>> -> memref<1x512x64xf32, #tpu.memory_space<vmem>>
      %dma_start3A_362 = tpu.memref_squeeze %dma_start3A_361 : memref<1x512x64xf32, #tpu.memory_space<vmem>> -> memref<512x64xf32, #tpu.memory_space<vmem>>
      %dma_start3A_363 = arith.constant 0 : i32
      %dma_start3A_364 = tpu.memref_slice %arg4[%add3A_357, %dma_start3A_363] : memref<819200x64xf32, #tpu.memory_space<hbm>> -> memref<512x64xf32, #tpu.memory_space<hbm>>
      %dma_start3A_365 = arith.constant 0 : i32
      %dma_start3A_366 = tpu.memref_slice %arg4[%add3A_357, %dma_start3A_365] : memref<819200x64xf32, #tpu.memory_space<hbm>> -> memref<512x64xf32, #tpu.memory_space<hbm>>
      %dma_start3A_367 = arith.constant 0 : i32
      %dma_start3A_368 = arith.constant 0 : i32
      %dma_start3A_369 = tpu.memref_slice %arg6[%dma_start3A_358, %dma_start3A_367, %dma_start3A_368] : memref<2x512x64xf32, #tpu.memory_space<vmem>> -> memref<1x512x64xf32, #tpu.memory_space<vmem>>
      %dma_start3A_370 = tpu.memref_squeeze %dma_start3A_369 : memref<1x512x64xf32, #tpu.memory_space<vmem>> -> memref<512x64xf32, #tpu.memory_space<vmem>>
      tpu.enqueue_dma source(%dma_start3A_370 : memref<512x64xf32, #tpu.memory_space<vmem>>) target(%dma_start3A_366 : memref<512x64xf32, #tpu.memory_space<hbm>>) target_semaphore(%arg8 : memref<!tpu.dma_semaphore, #tpu.memory_space<semaphore_mem>>)
    }
    %scan3A_6 = arith.constant 25 : i32
    %add3A_7 = arith.constant 24576 : i32
    %add3A_8 = arith.addi %mul3A_2, %add3A_7 : i32
    %dma_wait3A = arith.constant 0 : i32
    %dma_wait3A_9 = arith.constant 0 : i32
    %dma_wait3A_10 = arith.constant 0 : i32
    %dma_wait3A_11 = tpu.memref_slice %arg6[%dma_wait3A, %dma_wait3A_9, %dma_wait3A_10] : memref<2x512x64xf32, #tpu.memory_space<vmem>> -> memref<1x512x64xf32, #tpu.memory_space<vmem>>
    %dma_wait3A_12 = tpu.memref_squeeze %dma_wait3A_11 : memref<1x512x64xf32, #tpu.memory_space<vmem>> -> memref<512x64xf32, #tpu.memory_space<vmem>>
    %dma_wait3A_13 = arith.constant 0 : i32
    %dma_wait3A_14 = tpu.memref_slice %arg4[%add3A_8, %dma_wait3A_13] : memref<819200x64xf32, #tpu.memory_space<hbm>> -> memref<512x64xf32, #tpu.memory_space<hbm>>
    %dma_wait3A_15 = arith.constant 0 : i32
    %dma_wait3A_16 = tpu.memref_slice %arg4[%add3A_8, %dma_wait3A_15] : memref<819200x64xf32, #tpu.memory_space<hbm>> -> memref<512x64xf32, #tpu.memory_space<hbm>>
    %dma_wait3A_17 = arith.constant 0 : i32
    %dma_wait3A_18 = arith.constant 0 : i32
    %dma_wait3A_19 = tpu.memref_slice %arg6[%dma_wait3A, %dma_wait3A_17, %dma_wait3A_18] : memref<2x512x64xf32, #tpu.memory_space<vmem>> -> memref<1x512x64xf32, #tpu.memory_space<vmem>>
    %dma_wait3A_20 = tpu.memref_squeeze %dma_wait3A_19 : memref<1x512x64xf32, #tpu.memory_space<vmem>> -> memref<512x64xf32, #tpu.memory_space<vmem>>
    tpu.wait_dma2 semaphore(%arg8 : memref<!tpu.dma_semaphore, #tpu.memory_space<semaphore_mem>>) src(%dma_wait3A_20 : memref<512x64xf32, #tpu.memory_space<vmem>>) dst(%dma_wait3A_16 : memref<512x64xf32, #tpu.memory_space<hbm>>)
    %add3A_21 = arith.constant 25088 : i32
    %add3A_22 = arith.addi %mul3A_2, %add3A_21 : i32
    %dma_wait3A_23 = arith.constant 1 : i32
    %dma_wait3A_24 = arith.constant 0 : i32
    %dma_wait3A_25 = arith.constant 0 : i32
    %dma_wait3A_26 = tpu.memref_slice %arg6[%dma_wait3A_23, %dma_wait3A_24, %dma_wait3A_25] : memref<2x512x64xf32, #tpu.memory_space<vmem>> -> memref<1x512x64xf32, #tpu.memory_space<vmem>>
    %dma_wait3A_27 = tpu.memref_squeeze %dma_wait3A_26 : memref<1x512x64xf32, #tpu.memory_space<vmem>> -> memref<512x64xf32, #tpu.memory_space<vmem>>
    %dma_wait3A_28 = arith.constant 0 : i32
    %dma_wait3A_29 = tpu.memref_slice %arg4[%add3A_22, %dma_wait3A_28] : memref<819200x64xf32, #tpu.memory_space<hbm>> -> memref<512x64xf32, #tpu.memory_space<hbm>>
    %dma_wait3A_30 = arith.constant 0 : i32
    %dma_wait3A_31 = tpu.memref_slice %arg4[%add3A_22, %dma_wait3A_30] : memref<819200x64xf32, #tpu.memory_space<hbm>> -> memref<512x64xf32, #tpu.memory_space<hbm>>
    %dma_wait3A_32 = arith.constant 0 : i32
    %dma_wait3A_33 = arith.constant 0 : i32
    %dma_wait3A_34 = tpu.memref_slice %arg6[%dma_wait3A_23, %dma_wait3A_32, %dma_wait3A_33] : memref<2x512x64xf32, #tpu.memory_space<vmem>> -> memref<1x512x64xf32, #tpu.memory_space<vmem>>
    %dma_wait3A_35 = tpu.memref_squeeze %dma_wait3A_34 : memref<1x512x64xf32, #tpu.memory_space<vmem>> -> memref<512x64xf32, #tpu.memory_space<vmem>>
    tpu.wait_dma2 semaphore(%arg8 : memref<!tpu.dma_semaphore, #tpu.memory_space<semaphore_mem>>) src(%dma_wait3A_35 : memref<512x64xf32, #tpu.memory_space<vmem>>) dst(%dma_wait3A_31 : memref<512x64xf32, #tpu.memory_space<hbm>>)
    return
  }
}

</mosaic_0001>

<sc_bundles>
// kernel: _sc_gather.3.cloned.1.call-start
scs
__scs_entry_jumppad:
0x0: {  	(pc) =	sbr.rel $0x88, $3  }
0x1: {  	(tag) =	ssettag $0x0;
	lr =	simm.s32 $0x1  }
0x2: {  	[smem:$0x3F9F] =	sst lr;
	_ =	strace $0xD0000000  }
0x3: {  	_ = 	snop  }
0x4: {  	_ = 	snop  }
0x5: {  	_ = 	snop  }
0x6: {  	_ = 	snop  }
0x7: {  	_ = 	snop  }
__scs_overlays_trampoline_lowered:
0x8: {  	[smem:$0x3FAE] =	sst s0  }
0x9: {  	[smem:$0x3FAF] =	sst s1  }
0xa: {  	[smem:$0x3FB0] =	sst s2  }
0xb: {  	[smem:$0x3FB1] =	sst s3  }
0xc: {  	[smem:$0x3FB2] =	sst s4  }
0xd: {  	[smem:$0x3FB3] =	sst s5  }
0xe: {  	[smem:$0x3FB4] =	sst s6  }
0xf: {  	[smem:$0x3FB5] =	sst s7  }
0x10: {  	[smem:$0x3FB6] =	sst s8  }
0x11: {  	[smem:$0x3FB7] =	sst s9;
	s0 =	simm.s32 @!p0 $0x0  }
0x12: {  	s1 =	sld [smem:$0x3F9D];
	s0 =	simm.s32 @p0 $0x1  }
0x13: {  	[smem:$0x3FB8] =	sst s0;
	s0 =	simm.s32 @!p1 $0x0  }
0x14: {  	s2 =	sld [smem:$0x3F9C];
	s0 =	simm.s32 @p1 $0x1  }
0x15: {  	[smem:$0x3FB9] =	sst s0;
	s0 =	simm.s32 @!p2 $0x0  }
0x16: {  	s3 =	sld [smem:$0x3FDB];
	s0 =	simm.s32 @p2 $0x1  }
0x17: {  	s4 =	simm.s32 $0x1BF5;
	[smem:$0x3FBB] =	sst s0  }
0x18: {  	s0 =	sld [smem:$0x3F9E];
	_ =	swait.ge [sflag:s4], $0x0  }
0x19: {  	s7 =	sld [smem:$0x3F9F]  }
0x1a: {  	s8 =	sadd.s32 $0xFFFFE003, lr  }
0x1b: {  	s9 =	sadd.s32 $0xFFFFFEF7, lr;
	s5 =	simm.s32 $0xFFFFFFFF;
	p2 =	slt.u32 s8, $0xFFFFF086  }
0x1c: {  	p1 =	slt.u32 s9, $0xF7A;
	s5 =	simm.s32 @!p2 $0x0  }
0x1d: {  	s5 =	simm.s32 @p1 $0x1;
	p0 =	seq.s32 s7, s2  }
0x1e: {  	s7 =	smul.u32 @!p0 $0xF7A, s2;
	p2 =	seq.s32 @!p0 s5, $0x0  }
0x1f: {  	s9 =	smul.u32 $0xF7A, s1;
	s8 =	simm.s32 @!p0 $0x1BF5;
	p2 =	por !p2, p0  }
0x20: {  	[sflag:s8] =	ssyncset.s32 @!p0 $0xFFFFF086;
	s6 =	sadd.s32 @!p0 s3, s7;
	s7 =	simm.s32 @!p0 $0x108  }
0x21: {  	s3 =	sadd.s32 s3, s9;
	s6 =	sadd.s32 @!p0 $0x88, s6;
	s7 =	simm.s32 @p2 $0x1082  }
0x22: {  	[simem:s7], [sflag:s8] =	dma.local @!p0 [hbm:s6], $0xF7A  }
0x23: {  	s9 =	sor.u32 $0xD0000000, s2;
	s6 =	simm.s32 $0x108;
	_ =	swait.ge @!p0 [sflag:s8], $0x0  }
0x24: {  	s3 =	sadd.s32 $0x88, s3;
	s6 =	simm.s32 @!p1 $0x1082;
	[sflag:s4] =	ssyncset.s32 $0xFFFFF086  }
0x25: {  	[simem:s6], [sflag:s4] =	dma.local [hbm:s3], $0xF7A  }
0x26: {  	[smem:$0x3F9F] =	sst s1;
	(tag) =	ssettag s2;
	_ =	strace s9  }
0x27: {  	s1 =	sld [smem:$0x3FAF]  }
0x28: {  	s2 =	sld [smem:$0x3FB0]  }
0x29: {  	s4 =	sld [smem:$0x3FB2]  }
0x2a: {  	p0 =	seq.s32 s5, $0x0;
	s5 =	sld [smem:$0x3FB3]  }
0x2b: {  	s6 =	sld [smem:$0x3FB4]  }
0x2c: {  	s7 =	sld [smem:$0x3FB5]  }
0x2d: {  	s3 =	simm.s32 $0x108;
	s8 =	sld [smem:$0x3FB6]  }
0x2e: {  	s3 =	simm.s32 @!p0 $0x1082;
	s9 =	sld [smem:$0x3FB7]  }
0x2f: {  	lr =	sadd.s32 s0, s3;
	s0 =	sld [smem:$0x3FAE]  }
0x30: {  	s3 =	sld [smem:$0x3FB1]  }
0x31: {  	[smem:$0x3FBA] =	sst s10  }
0x32: {  	s10 =	sld [smem:$0x3FB8];
	_ =	sdelay $0x3  }
0x33: {  	p0 =	seq.s32 s10, $0x1;
	s10 =	sld [smem:$0x3FBA];
	_ =	sdelay $0x3  }
0x34: {  	[smem:$0x3FBA] =	sst s10  }
0x35: {  	s10 =	sld [smem:$0x3FB9];
	_ =	sdelay $0x3  }
0x36: {  	p1 =	seq.s32 s10, $0x1;
	s10 =	sld [smem:$0x3FBA];
	_ =	sdelay $0x3  }
0x37: {  	[smem:$0x3FBA] =	sst s10  }
0x38: {  	s10 =	sld [smem:$0x3FBB]  }
0x39: {  	_ = 	snop;
	(pc) =	sbr.ind lr, $3  }
0x3a: {  	_ = 	snop  }
0x3b: {  	_ = 	snop  }
0x3c: {  	p2 =	seq.s32 s10, $0x1;
	s10 =	sld [smem:$0x3FBA]  }
0x3d: {  	_ =	shalt  }
0x3e: {  	_ =	shalt  }
0x3f: {  	_ =	shalt  }
0x40: {  	_ =	shalt  }
0x41: {  	_ =	shalt  }
0x42: {  	_ =	shalt  }
0x43: {  	_ =	shalt  }
0x44: {  	_ =	shalt  }
0x45: {  	_ =	shalt  }
0x46: {  	_ =	shalt  }
0x47: {  	_ =	shalt  }
0x48: {  	_ =	shalt  }
0x49: {  	_ =	shalt  }
0x4a: {  	_ =	shalt  }
0x4b: {  	_ =	shalt  }
0x4c: {  	_ =	shalt  }
0x4d: {  	_ =	shalt  }
0x4e: {  	_ =	shalt  }
0x4f: {  	_ =	shalt  }
0x50: {  	_ =	shalt  }
0x51: {  	_ =	shalt  }
0x52: {  	_ =	shalt  }
0x53: {  	_ =	shalt  }
0x54: {  	_ =	shalt  }
0x55: {  	_ =	shalt  }
0x56: {  	_ =	shalt  }
0x57: {  	_ =	shalt  }
0x58: {  	_ =	shalt  }
0x59: {  	_ =	shalt  }
0x5a: {  	_ =	shalt  }
0x5b: {  	_ =	shalt  }
0x5c: {  	_ =	shalt  }
0x5d: {  	_ =	shalt  }
0x5e: {  	_ =	shalt  }
0x5f: {  	_ =	shalt  }
0x60: {  	_ =	shalt  }
0x61: {  	_ =	shalt  }
0x62: {  	_ =	shalt  }
0x63: {  	_ =	shalt  }
0x64: {  	_ =	shalt  }
0x65: {  	_ =	shalt  }
0x66: {  	_ =	shalt  }
0x67: {  	_ =	shalt  }
0x68: {  	_ =	shalt  }
0x69: {  	_ =	shalt  }
0x6a: {  	_ =	shalt  }
0x6b: {  	_ =	shalt  }
0x6c: {  	_ =	shalt  }
0x6d: {  	_ =	shalt  }
0x6e: {  	_ =	shalt  }
0x6f: {  	_ =	shalt  }
0x70: {  	_ =	shalt  }
0x71: {  	_ =	shalt  }
0x72: {  	_ =	shalt  }
0x73: {  	_ =	shalt  }
0x74: {  	_ =	shalt  }
0x75: {  	_ =	shalt  }
0x76: {  	_ =	shalt  }
0x77: {  	_ =	shalt  }
0x78: {  	_ =	shalt  }
0x79: {  	_ =	shalt  }
0x7a: {  	_ =	shalt  }
0x7b: {  	_ =	shalt  }
0x7c: {  	_ =	shalt  }
0x7d: {  	_ =	shalt  }
0x7e: {  	_ =	shalt  }
0x7f: {  	_ =	shalt  }
0x80: {  	_ =	shalt  }
0x81: {  	_ =	shalt  }
0x82: {  	_ =	shalt  }
0x83: {  	_ =	shalt  }
0x84: {  	_ =	shalt  }
0x85: {  	_ =	shalt  }
0x86: {  	_ =	shalt  }
0x87: {  	_ =	shalt  }
.Lfunc_end0:
.L_simem_size_0:
called_computation.1_lowered:
.L_overlay_start_0:
0x88: {  	s2 =	sld [smem:$0x3FD9]  }
0x89: {  	s3 =	sld [smem:$0x3FFE];
	_ =	sdelay $0x1  }
0x8a: {  	s1 =	srdreg.scid  }
0x8b: {  	s0 =	sand.u32 $0x1, s1  }
0x8c: {  	s17 =	sshll.u32 s0, $0xA;
	s2 =	sadd.s32 s3, s2  }
0x8d: {  	s2 =	sadd.s32 s2, s17  }
0x8e: {  	[smem:$0x3FC6] =	sst s2  }
0x8f: {  	_ = 	snop  }
0x90: {  	s2 =	sld [smem:$0x3FC9]  }
0x91: {  	s18 =	sld [smem:$0x3FD0];
	(tm) =	ssettm $0x1  }
0x92: {  	s4 =	sld [smem:$0x3FFB];
	_ =	sdelay $0x3  }
0x93: {  	_ =	strace s4  }
0x94: {  	s4 =	sld [smem:$0x3FFC];
	_ =	sdelay $0x3  }
0x95: {  	_ =	strace s4  }
0x96: {  	s4 =	sld [smem:$0x3FFD];
	_ =	sdelay $0x3  }
0x97: {  	_ =	strace s4  }
0x98: {  	_ =	strace $0x8FFFFFFF  }
0x99: {  	s19 =	sld [smem:$0x3FDB];
	_ =	sdelay $0x1  }
0x9a: {  	s5 =	simm.s32 $_scs_section_size  }
0x9b: {  	s6 =	simm.s32 $_size__tile_overlayer_lowered;
	s7 =	simm.s32 $_tile_overlayer_lowered  }
0x9c: {  	s22 =	simm.s32 $0x1BFF;
	s21 =	sshll.u32 s7, $0x1;
	s4 =	sadd.s32 s5, s19  }
0x9d: {  	s8 =	simm.s32 $0x0;
	s20 =	sshll.u32 s6, $0x1;
	s6 =	sadd.s32 s21, s4  }
0x9e: {  	[timem:s8], [sflag:s22] =	dma.local [hbm:s6], s20  }
0x9f: {  	_ =	swait.ge [sflag:s22], s20  }
0xa0: {  	s5 =	ssub.s32 $0x0, s20;
	[sflag:s22] =	ssyncset.done $0x0  }
0xa1: {  	[sflag:s22] =	ssyncadd.s32 s5;
	_ =	sdelay $0x1  }
0xa2: {  	s23 =	simm.s32 $0x1B8B  }
0xa3: {  	_ =	swait.ge [sflag:s23], $0x1  }
0xa4: {  	[sflag:s23] =	ssyncset.done $0x0  }
0xa5: {  	s25 =	simm.s32 $0x1B8E;
	s24 =	sld [smem:$0x3FFE];
	[sflag:s23] =	ssyncadd.s32 $0xFFFFFFFF  }
0xa6: {  	s26 =	simm.s32 $execute0_lowered;
	[smem:$0x3FD2] =	sst s25  }
0xa7: {  	s6 =	sshll.u32 s26, $0x1;
	_ =	strace $0x80000046;
	[dreg:$0x1] =	wrdreg $0xFFFFFFFF  }
0xa8: {  	s28 =	simm.s32 $_size_execute0_lowered;
	s4 =	sadd.s32 s4, s6;
	[dreg:$0x0] =	wrdreg $0x0  }
0xa9: {  	s6 =	sshll.u32 s28, $0x1;
	[dreg:$0x2] =	wrdreg s4  }
0xaa: {  	[dreg:$0x3] =	wrdreg s6  }
0xab: {  	[dreg:$0x4] =	wrdreg $0xC0  }
0xac: {  	_ =	task [dreg:s8], $0x5FFFF  }
0xad: {  	[dreg:$0x1] =	wrdreg $0xFFFFFFFF  }
0xae: {  	[dreg:$0x0] =	wrdreg $0x60  }
0xaf: {  	[dreg:$0x2] =	wrdreg s2  }
0xb0: {  	[dreg:$0x3] =	wrdreg s24  }
0xb1: {  	[dreg:$0x4] =	wrdreg s18  }
0xb2: {  	[dreg:$0x5] =	wrdreg $0x9  }
0xb3: {  	_ =	task.clear_ibuf [dreg:s8], $0x6FFFF;
	_ =	strace $0x90000046  }
0xb4: {  	s29 =	simm.s32 $0x9;
	_ =	strace $0x80000048  }
0xb5: {  	_ =	swait.ge [sflag:s29], $0x1  }
0xb6: {  	[sflag:s29] =	ssyncadd.s32 $0xFFFFFFFF  }
0xb7: {  	_ =	strace $0x90000048  }
0xb8: {  	_ =	sfence  }
0xb9: {  	s30 =	sld [smem:$0x0];
	_ =	sdelay $0x2  }
0xba: {  	s31 =	sshll.u32 s1, $0xD;
	s1 =	sshrl.u32 s1, $0x2  }
0xbb: {  	s3 =	sand.u32 $0x4000, s31;
	s1 =	sadd.s32 s1, s30  }
0xbc: {  	s0 =	sor.u32 s3, s0;
	s1 =	sshll.u32 s1, $0x11  }
0xbd: {  	s0 =	sor.u32 s1, s0  }
0xbe: {  	s0 =	sadd.s32 $0x8F2B, s0  }
0xbf: {  	[sflag:s0] =	ssyncadd.remote.s32 $0x1  }
0xc0: {  	_ =	sfence.sel $0xFFFF  }
0xc1: {  	[dreg:$0x0] =	wrdreg $0xFFFFFFFF;
	(pc) =	sbr.abs _section_cstart, $3  }
0xc2: {  	[dreg:$0x1] =	wrdreg $0xFFFFFFFF  }
0xc3: {  	_ =	task.clear_ibuf [dreg:s8], $0x2FFFF;
	_ =	strace $0x9FFFFFFF  }
0xc4: {  	(tm) =	ssettm $0x7FFFFFFF  }
0xc5: {  	_ =	shalt  }
tec
execute0_lowered:
.L_overlay_start_1:
0x0: {  	(tag) =	ssettag $0x1  }
0x1: {  	s0 =	rddreg [dreg:$0x0]  }
0x2: {  	s1 =	srdreg.scid;
	s4 =	rddreg [dreg:$0x1]  }
0x3: {  	s7 =	stileid.u32;
	s2 =	rddreg [dreg:$0x2];
	s11 =	simm.s32 $0x3  }
0x4: {  	s12 =	simm.s32 $0x80;
	s13 =	simm.s32 $0x6400;
	s14 =	simm.s32 $0x8400  }
0x5: {  	s16 =	simm.s32 $0xA400;
	s18 =	simm.s32 $0xC400;
	s19 =	simm.s32 $0x1  }
0x6: {  	s21 =	simm.s32 $0xE400;
	s22 =	simm.s32 $0x280;
	s23 =	simm.s32 $0x10400  }
0x7: {  	s24 =	simm.s32 $0x300;
	s25 =	simm.s32 $0x12400;
	s26 =	simm.s32 $0x380  }
0x8: {  	s28 =	simm.s32 $0x14400;
	s29 =	simm.s32 $0x2;
	s30 =	simm.s32 $0x0  }
0x9: {  	s1 =	sand.u32 $0x1, s1;
	s3 =	sshll.u32 s7, $0x1;
	s7 =	smul.u32 $0x320000, s7  }
0xa: {  	s5 =	sor.u32 s1, s3;
	s8 =	ssub.s32 $0x2, s1;
	s1 =	smul.u32 $0x190000, s1  }
0xb: {  	s4 =	sadd.s32 $0xF42C00, s4;
	s3 =	simm.s32 $0x0;
	s6 =	smul.u32 $0x190000, s5  }
0xc: {  	[smem:$0x7FF] =	sst s3;
	s9 =	sshrl.u32 s8, $0x1;
	s5 =	smul.u32 $0xC80, s5  }
0xd: {  	_ =	strace $0x80000047;
	s8 =	ssub.s32 s8, s9;
	s1 =	sadd.s32 s1, s7  }
0xe: {  	s6 =	sshrl.u32 s6, $0x3;
	s5 =	sadd.s32 s0, s5;
	s31 =	sadd.s32 $0x18000, s1  }
0xf: {  	s7 =	smax.u32 s8, $0x1;
	s6 =	sadd.s32 s2, s6;
	s0 =	sshrl.u32 s31, $0x3  }
0x10: {  	s9 =	sadd.s32 $0x10000, s1;
	s8 =	sadd.s32 $0x1000, s6;
	s15 =	sadd.s32 s0, s2  }
.LBB2_1:
0x11: {  	[tilespmem:s3], [sflag:$0x3] =	stream.linear.gather [hbm4b:s5+s3], $0x6400, $0x38;
	[tilespmem:$0x16400] =	vst v63  }
0x12: {  	_ =	swait.ge [sflag:s11], $0x6400  }
0x13: {  	[sflag:s11] =	ssyncset.done $0x0  }
0x14: {  	[sflag:s11] =	ssyncadd.s32 $0xFFFF9C00  }
0x15: {  	[tilespmem:s13], [sflag:$0x1] =	stream.indirect.gather [hbm4b:s4+s12], $0x40, s3, s12, $0xb8;
	[tilespmem:$0x16400] =	vst v63  }
0x16: {  	_ = 	snop  }
0x17: {  	[tilespmem:s14], [sflag:$0x1] =	stream.indirect.gather [hbm4b:s4+s12], $0x40, s12, s12, $0xb8;
	[tilespmem:$0x16400] =	vst v63  }
0x18: {  	s0 =	simm.s32 $0x100  }
0x19: {  	[tilespmem:s16], [sflag:$0x1] =	stream.indirect.gather [hbm4b:s4+s12], $0x40, s0, s12, $0xb8;
	[tilespmem:$0x16400] =	vst v63  }
0x1a: {  	s10 =	simm.s32 $0x180  }
0x1b: {  	[tilespmem:s18], [sflag:$0x1] =	stream.indirect.gather [hbm4b:s4+s12], $0x40, s10, s12, $0xb8;
	[tilespmem:$0x16400] =	vst v63  }
0x1c: {  	_ =	swait.ge [sflag:s19], $0x2000  }
0x1d: {  	[sflag:s19] =	ssyncset.done $0x0  }
0x1e: {  	[sflag:s19] =	ssyncadd.s32 $0xFFFFE000  }
0x1f: {  	_ =	swait.ge [sflag:s19], $0x2000  }
0x20: {  	[sflag:s19] =	ssyncset.done $0x0  }
0x21: {  	[sflag:s19] =	ssyncadd.s32 $0xFFFFE000  }
0x22: {  	_ =	swait.ge [sflag:s19], $0x2000  }
0x23: {  	[sflag:s19] =	ssyncset.done $0x0  }
0x24: {  	[sflag:s19] =	ssyncadd.s32 $0xFFFFE000  }
0x25: {  	_ =	swait.ge [sflag:s19], $0x2000  }
0x26: {  	[sflag:s19] =	ssyncset.done $0x0  }
0x27: {  	[sflag:s19] =	ssyncadd.s32 $0xFFFFE000  }
0x28: {  	[hbm4b:s6+s3] =	stream.linear.scatter [tilespmem:s13], [sflag:$0x2], $0x8000, $0x38;
	[tilespmem:$0x16400] =	vst v63  }
0x29: {  	s17 =	simm.s32 $0x200  }
0x2a: {  	[tilespmem:s21], [sflag:$0x1] =	stream.indirect.gather [hbm4b:s4+s12], $0x40, s17, s12, $0xb8;
	[tilespmem:$0x16400] =	vst v63  }
0x2b: {  	_ = 	snop  }
0x2c: {  	[tilespmem:s23], [sflag:$0x1] =	stream.indirect.gather [hbm4b:s4+s12], $0x40, s22, s12, $0xb8;
	[tilespmem:$0x16400] =	vst v63  }
0x2d: {  	_ = 	snop  }
0x2e: {  	[tilespmem:s25], [sflag:$0x1] =	stream.indirect.gather [hbm4b:s4+s12], $0x40, s24, s12, $0xb8;
	[tilespmem:$0x16400] =	vst v63  }
0x2f: {  	_ = 	snop  }
0x30: {  	[tilespmem:s28], [sflag:$0x1] =	stream.indirect.gather [hbm4b:s4+s12], $0x40, s26, s12, $0xb8;
	[tilespmem:$0x16400] =	vst v63  }
0x31: {  	_ =	swait.ge [sflag:s19], $0x2000  }
0x32: {  	[sflag:s19] =	ssyncset.done $0x0  }
0x33: {  	[sflag:s19] =	ssyncadd.s32 $0xFFFFE000  }
0x34: {  	_ =	swait.ge [sflag:s19], $0x2000  }
0x35: {  	[sflag:s19] =	ssyncset.done $0x0  }
0x36: {  	[sflag:s19] =	ssyncadd.s32 $0xFFFFE000  }
0x37: {  	_ =	swait.ge [sflag:s19], $0x2000  }
0x38: {  	[sflag:s19] =	ssyncset.done $0x0  }
0x39: {  	[sflag:s19] =	ssyncadd.s32 $0xFFFFE000  }
0x3a: {  	_ =	swait.ge [sflag:s19], $0x2000  }
0x3b: {  	[sflag:s19] =	ssyncset.done $0x0  }
0x3c: {  	[sflag:s19] =	ssyncadd.s32 $0xFFFFE000  }
0x3d: {  	[hbm4b:s8+s3] =	stream.linear.scatter [tilespmem:s21], [sflag:$0x2], $0x8000, $0x38;
	[tilespmem:$0x16400] =	vst v63  }
0x3e: {  	_ =	swait.ge [sflag:s29], $0x8000  }
0x3f: {  	[sflag:s29] =	ssyncset.done $0x0  }
0x40: {  	s20 =	simm.s32 $0x400;
	[sflag:s29] =	ssyncadd.s32 $0xFFFF8000  }
0x41: {  	[tilespmem:s13], [sflag:$0x1] =	stream.indirect.gather [hbm4b:s4+s12], $0x40, s20, s12, $0xb8;
	[tilespmem:$0x16400] =	vst v63  }
0x42: {  	s1 =	simm.s32 $0x480  }
0x43: {  	[tilespmem:s14], [sflag:$0x1] =	stream.indirect.gather [hbm4b:s4+s12], $0x40, s1, s12, $0xb8;
	[tilespmem:$0x16400] =	vst v63  }
0x44: {  	s10 =	simm.s32 $0x500  }
0x45: {  	[tilespmem:s16], [sflag:$0x1] =	stream.indirect.gather [hbm4b:s4+s12], $0x40, s10, s12, $0xb8;
	[tilespmem:$0x16400] =	vst v63  }
0x46: {  	s17 =	simm.s32 $0x580  }
0x47: {  	[tilespmem:s18], [sflag:$0x1] =	stream.indirect.gather [hbm4b:s4+s12], $0x40, s17, s12, $0xb8;
	[tilespmem:$0x16400] =	vst v63  }
0x48: {  	_ =	swait.ge [sflag:s19], $0x2000  }
0x49: {  	[sflag:s19] =	ssyncset.done $0x0  }
0x4a: {  	[sflag:s19] =	ssyncadd.s32 $0xFFFFE000  }
0x4b: {  	_ =	swait.ge [sflag:s19], $0x2000  }
0x4c: {  	[sflag:s19] =	ssyncset.done $0x0  }
0x4d: {  	[sflag:s19] =	ssyncadd.s32 $0xFFFFE000  }
0x4e: {  	_ =	swait.ge [sflag:s19], $0x2000  }
0x4f: {  	[sflag:s19] =	ssyncset.done $0x0  }
0x50: {  	[sflag:s19] =	ssyncadd.s32 $0xFFFFE000  }
0x51: {  	_ =	swait.ge [sflag:s19], $0x2000  }
0x52: {  	s20 =	sshrl.u32 s9, $0x3;
	[sflag:s19] =	ssyncset.done $0x0  }
0x53: {  	s0 =	sadd.s32 s2, s20;
	[sflag:s19] =	ssyncadd.s32 $0xFFFFE000  }
0x54: {  	[hbm4b:s0+s3] =	stream.linear.scatter [tilespmem:s13], [sflag:$0x2], $0x8000, $0x38;
	[tilespmem:$0x16400] =	vst v63  }
0x55: {  	_ =	swait.ge [sflag:s29], $0x8000  }
0x56: {  	[sflag:s29] =	ssyncset.done $0x0  }
0x57: {  	s1 =	simm.s32 $0x600;
	[sflag:s29] =	ssyncadd.s32 $0xFFFF8000  }
0x58: {  	[tilespmem:s21], [sflag:$0x1] =	stream.indirect.gather [hbm4b:s4+s12], $0x40, s1, s12, $0xb8;
	[tilespmem:$0x16400] =	vst v63  }
0x59: {  	s10 =	simm.s32 $0x680  }
0x5a: {  	[tilespmem:s23], [sflag:$0x1] =	stream.indirect.gather [hbm4b:s4+s12], $0x40, s10, s12, $0xb8;
	[tilespmem:$0x16400] =	vst v63  }
0x5b: {  	s17 =	simm.s32 $0x700  }
0x5c: {  	[tilespmem:s25], [sflag:$0x1] =	stream.indirect.gather [hbm4b:s4+s12], $0x40, s17, s12, $0xb8;
	[tilespmem:$0x16400] =	vst v63  }
0x5d: {  	s20 =	simm.s32 $0x780  }
0x5e: {  	[tilespmem:s28], [sflag:$0x1] =	stream.indirect.gather [hbm4b:s4+s12], $0x40, s20, s12, $0xb8;
	[tilespmem:$0x16400] =	vst v63  }
0x5f: {  	_ =	swait.ge [sflag:s19], $0x2000  }
0x60: {  	[sflag:s19] =	ssyncset.done $0x0  }
0x61: {  	[sflag:s19] =	ssyncadd.s32 $0xFFFFE000  }
0x62: {  	_ =	swait.ge [sflag:s19], $0x2000  }
0x63: {  	[sflag:s19] =	ssyncset.done $0x0  }
0x64: {  	[sflag:s19] =	ssyncadd.s32 $0xFFFFE000  }
0x65: {  	_ =	swait.ge [sflag:s19], $0x2000  }
0x66: {  	[sflag:s19] =	ssyncset.done $0x0  }
0x67: {  	[sflag:s19] =	ssyncadd.s32 $0xFFFFE000  }
0x68: {  	_ =	swait.ge [sflag:s19], $0x2000  }
0x69: {  	s31 =	simm.s32 $0x1000;
	s0 =	sadd.s32 $0x2000, s15;
	[sflag:s19] =	ssyncset.done $0x0  }
0x6a: {  	s1 =	sadd.s32 $0x10000, s9;
	s10 =	smov.u32 s15;
	[sflag:s19] =	ssyncadd.s32 $0xFFFFE000  }
.LBB2_2:
0x6b: {  	[hbm4b:s10+s3] =	stream.linear.scatter [tilespmem:s21], [sflag:$0x2], $0x8000, $0x38;
	[tilespmem:$0x16400] =	vst v63  }
0x6c: {  	s17 =	smov.u32 s31;
	s10 =	smov.u32 s0  }
0x6d: {  	p0 =	sne.s32 s31, $0x17000;
	s31 =	sadd.s32 $0x1000, s31;
	_ =	swait.ge [sflag:s29], $0x8000  }
0x6e: {  	s17 =	sshra.s32 s17, $0x2;
	[sflag:s29] =	ssyncset.done $0x0  }
0x6f: {  	s20 =	sadd.s32 $0x400, s17;
	[sflag:s29] =	ssyncadd.s32 $0xFFFF8000  }
0x70: {  	[tilespmem:s13], [sflag:$0x1] =	stream.indirect.gather [hbm4b:s4+s12], $0x40, s20, s12, $0xb8;
	[tilespmem:$0x16400] =	vst v63  }
0x71: {  	s20 =	sadd.s32 $0x480, s17  }
0x72: {  	[tilespmem:s14], [sflag:$0x1] =	stream.indirect.gather [hbm4b:s4+s12], $0x40, s20, s12, $0xb8;
	[tilespmem:$0x16400] =	vst v63  }
0x73: {  	s20 =	sadd.s32 $0x500, s17  }
0x74: {  	[tilespmem:s16], [sflag:$0x1] =	stream.indirect.gather [hbm4b:s4+s12], $0x40, s20, s12, $0xb8;
	[tilespmem:$0x16400] =	vst v63  }
0x75: {  	s20 =	sadd.s32 $0x580, s17  }
0x76: {  	[tilespmem:s18], [sflag:$0x1] =	stream.indirect.gather [hbm4b:s4+s12], $0x40, s20, s12, $0xb8;
	[tilespmem:$0x16400] =	vst v63  }
0x77: {  	_ =	swait.ge [sflag:s19], $0x2000  }
0x78: {  	[sflag:s19] =	ssyncset.done $0x0  }
0x79: {  	[sflag:s19] =	ssyncadd.s32 $0xFFFFE000  }
0x7a: {  	_ =	swait.ge [sflag:s19], $0x2000  }
0x7b: {  	[sflag:s19] =	ssyncset.done $0x0  }
0x7c: {  	[sflag:s19] =	ssyncadd.s32 $0xFFFFE000  }
0x7d: {  	_ =	swait.ge [sflag:s19], $0x2000  }
0x7e: {  	[sflag:s19] =	ssyncset.done $0x0  }
0x7f: {  	[sflag:s19] =	ssyncadd.s32 $0xFFFFE000  }
0x80: {  	_ =	swait.ge [sflag:s19], $0x2000  }
0x81: {  	s20 =	sshrl.u32 s1, $0x3;
	[sflag:s19] =	ssyncset.done $0x0  }
0x82: {  	s20 =	sadd.s32 s2, s20;
	[sflag:s19] =	ssyncadd.s32 $0xFFFFE000  }
0x83: {  	[hbm4b:s20+s3] =	stream.linear.scatter [tilespmem:s13], [sflag:$0x2], $0x8000, $0x38;
	[tilespmem:$0x16400] =	vst v63  }
0x84: {  	_ =	swait.ge [sflag:s29], $0x8000  }
0x85: {  	[sflag:s29] =	ssyncset.done $0x0  }
0x86: {  	s20 =	sadd.s32 $0x600, s17;
	[sflag:s29] =	ssyncadd.s32 $0xFFFF8000  }
0x87: {  	[tilespmem:s21], [sflag:$0x1] =	stream.indirect.gather [hbm4b:s4+s12], $0x40, s20, s12, $0xb8;
	[tilespmem:$0x16400] =	vst v63  }
0x88: {  	s20 =	sadd.s32 $0x680, s17  }
0x89: {  	[tilespmem:s23], [sflag:$0x1] =	stream.indirect.gather [hbm4b:s4+s12], $0x40, s20, s12, $0xb8;
	[tilespmem:$0x16400] =	vst v63  }
0x8a: {  	s20 =	sadd.s32 $0x700, s17  }
0x8b: {  	[tilespmem:s25], [sflag:$0x1] =	stream.indirect.gather [hbm4b:s4+s12], $0x40, s20, s12, $0xb8;
	[tilespmem:$0x16400] =	vst v63  }
0x8c: {  	s17 =	sadd.s32 $0x780, s17  }
0x8d: {  	[tilespmem:s28], [sflag:$0x1] =	stream.indirect.gather [hbm4b:s4+s12], $0x40, s17, s12, $0xb8;
	[tilespmem:$0x16400] =	vst v63  }
0x8e: {  	_ =	swait.ge [sflag:s19], $0x2000  }
0x8f: {  	[sflag:s19] =	ssyncset.done $0x0  }
0x90: {  	[sflag:s19] =	ssyncadd.s32 $0xFFFFE000  }
0x91: {  	_ =	swait.ge [sflag:s19], $0x2000  }
0x92: {  	[sflag:s19] =	ssyncset.done $0x0  }
0x93: {  	[sflag:s19] =	ssyncadd.s32 $0xFFFFE000  }
0x94: {  	_ =	swait.ge [sflag:s19], $0x2000  }
.Ltmp0:
0x95: {  	[sflag:s19] =	ssyncset.done $0x0;
	(pc) =	sbr.rel @p0 .LBB2_2-.Ltmp0, $4  }
0x96: {  	[sflag:s19] =	ssyncadd.s32 $0xFFFFE000  }
0x97: {  	_ =	swait.ge [sflag:s19], $0x2000  }
0x98: {  	[sflag:s19] =	ssyncset.done $0x0  }
0x99: {  	s0 =	sadd.s32 $0x2000, s0;
	s1 =	sadd.s32 $0x10000, s1;
	[sflag:s19] =	ssyncadd.s32 $0xFFFFE000  }
0x9a: {  	[hbm4b:s10+s3] =	stream.linear.scatter [tilespmem:s21], [sflag:$0x2], $0x8000, $0x38;
	[tilespmem:$0x16400] =	vst v63  }
0x9b: {  	s30 =	sadd.s32 $0x1, s30  }
0x9c: {  	_ =	swait.ge [sflag:s29], $0x8000;
	p0 =	sne.s32 s30, s7  }
.Ltmp1:
0x9d: {  	[sflag:s29] =	ssyncset.done $0x0;
	(pc) =	sbr.rel @p0 .LBB2_1-.Ltmp1, $4  }
0x9e: {  	[sflag:s29] =	ssyncadd.s32 $0xFFFF8000  }
0x9f: {  	_ =	swait.ge [sflag:s29], $0x8000  }
0xa0: {  	[sflag:s29] =	ssyncset.done $0x0  }
0xa1: {  	[sflag:s29] =	ssyncadd.s32 $0xFFFF8000  }
0xa2: {  	_ =	sfence.sel $0x180000  }
0xa3: {  	[bflag:$0x0] =	sbarrier.arrive $0xFFFF  }
0xa4: {  	_ =	strace $0x90000047  }
0xa5: {  	s0 =	stileid.u32;
	[bflag:$0x2] =	sbarrier.arrive $0xFFFF  }
0xa6: {  	p0 =	sne.s32 s0, $0x0;
	s0 =	rddreg [dreg:$0x3]  }
0xa7: {  	s0 =	sadd.s32 @!p0 $0x100000, s0  }
0xa8: {  	[sflag:s0] =	ssyncadd.tile.s32 @!p0 $0x1;
	_ =	shalt  }
.Lfunc_end2:
_tile_overlayer_lowered:
.L_overlay_start_2:
0xa9: {  	(tag) =	ssettag $0x2  }
0xaa: {  	s0 =	rddreg [dreg:$0x0];
	s2 =	stileid.u32  }
0xab: {  	s1 =	rddreg [dreg:$0x1];
	p0 =	sne.s32 s2, $0x0  }
0xac: {  	s3 =	rddreg [dreg:$0x2];
	[bflag:$0x3] =	sbarrier.arrive $0xFFFF;
	s2 =	simm.s32 @!p0 $0x1C03  }
0xad: {  	[timem:s3], [sflag:s2] =	dma.local @!p0 [hbm:s0], s1  }
0xae: {  	s0 =	simm.s32 @!p0 $0x3  }
0xaf: {  	_ =	swait.ge @!p0 [sflag:s0], s1  }
0xb0: {  	s1 =	ssub.s32 @!p0 $0x0, s1;
	[sflag:s0] =	ssyncset.done @!p0 $0x0  }
0xb1: {  	[sflag:s0] =	ssyncadd.s32 @!p0 s1  }
0xb2: {  	[bflag:$0x3] =	sbarrier.arrive $0xFFFF  }
0xb3: {  	_ =	shalt  }

// kernel: sparse-core-data-format-call.cloned.1.call-start
scs
called_computation_lowered:
.L_overlay_start_0:
0x0: {  	s2 =	sld [smem:$0x3FD9]  }
0x1: {  	s3 =	sld [smem:$0x3FFE];
	_ =	sdelay $0x1  }
0x2: {  	s1 =	srdreg.scid  }
0x3: {  	s0 =	sand.u32 $0x1, s1  }
0x4: {  	s18 =	sshll.u32 s0, $0xA;
	s2 =	sadd.s32 s3, s2  }
0x5: {  	s2 =	sadd.s32 s2, s18  }
0x6: {  	[smem:$0x3FC6] =	sst s2  }
0x7: {  	_ = 	snop  }
0x8: {  	s2 =	sld [smem:$0x3FD0];
	(tm) =	ssettm $0x1  }
0x9: {  	s19 =	sld [smem:$0x3FFB];
	_ =	sdelay $0x3  }
0xa: {  	_ =	strace s19  }
0xb: {  	s3 =	sld [smem:$0x3FFC];
	_ =	sdelay $0x3  }
0xc: {  	_ =	strace s3  }
0xd: {  	s3 =	sld [smem:$0x3FFD];
	_ =	sdelay $0x3  }
0xe: {  	_ =	strace s3  }
0xf: {  	_ =	strace $0x8FFFFFFF  }
0x10: {  	s20 =	sld [smem:$0x3FDB];
	_ =	sdelay $0x1  }
0x11: {  	s4 =	simm.s32 $_scs_section_size  }
0x12: {  	s5 =	simm.s32 $_size__tile_overlayer_lowered;
	s6 =	simm.s32 $_tile_overlayer_lowered  }
0x13: {  	s23 =	simm.s32 $0x1BFF;
	s22 =	sshll.u32 s6, $0x1;
	s3 =	sadd.s32 s4, s20  }
0x14: {  	s7 =	simm.s32 $0x0;
	s21 =	sshll.u32 s5, $0x1;
	s5 =	sadd.s32 s22, s3  }
0x15: {  	[timem:s7], [sflag:s23] =	dma.local [hbm:s5], s21  }
0x16: {  	_ =	swait.ge [sflag:s23], s21  }
0x17: {  	s4 =	ssub.s32 $0x0, s21;
	[sflag:s23] =	ssyncset.done $0x0  }
0x18: {  	[sflag:s23] =	ssyncadd.s32 s4;
	_ =	sdelay $0x1  }
0x19: {  	s24 =	simm.s32 $0x1B8B  }
0x1a: {  	_ =	swait.ge [sflag:s24], $0x1  }
0x1b: {  	[sflag:s24] =	ssyncset.done $0x0  }
0x1c: {  	s26 =	simm.s32 $0x1B8E;
	s25 =	sld [smem:$0x3FFE];
	[sflag:s24] =	ssyncadd.s32 $0xFFFFFFFF  }
0x1d: {  	s27 =	simm.s32 $execute0_lowered;
	[smem:$0x3FD2] =	sst s26  }
0x1e: {  	s5 =	sshll.u32 s27, $0x1;
	_ =	strace $0x80000049;
	[dreg:$0x1] =	wrdreg $0xFFFFFFFF  }
0x1f: {  	s28 =	simm.s32 $_size_execute0_lowered;
	s3 =	sadd.s32 s3, s5;
	[dreg:$0x0] =	wrdreg $0x0  }
0x20: {  	s5 =	sshll.u32 s28, $0x1;
	[dreg:$0x2] =	wrdreg s3  }
0x21: {  	[dreg:$0x3] =	wrdreg s5  }
0x22: {  	[dreg:$0x4] =	wrdreg $0xC0  }
0x23: {  	_ =	task [dreg:s7], $0x5FFFF  }
0x24: {  	[dreg:$0x1] =	wrdreg $0xFFFFFFFF  }
0x25: {  	[dreg:$0x0] =	wrdreg $0x60  }
0x26: {  	[dreg:$0x2] =	wrdreg s25  }
0x27: {  	[dreg:$0x3] =	wrdreg s2  }
0x28: {  	[dreg:$0x4] =	wrdreg $0x9  }
0x29: {  	_ =	task.clear_ibuf [dreg:s7], $0x5FFFF;
	_ =	strace $0x90000049  }
0x2a: {  	s29 =	simm.s32 $0x9;
	_ =	strace $0x8000004B  }
0x2b: {  	_ =	swait.ge [sflag:s29], $0x1  }
0x2c: {  	[sflag:s29] =	ssyncadd.s32 $0xFFFFFFFF  }
0x2d: {  	_ =	strace $0x9000004B  }
0x2e: {  	_ =	sfence  }
0x2f: {  	s30 =	sld [smem:$0x0];
	_ =	sdelay $0x2  }
0x30: {  	s31 =	sshll.u32 s1, $0xD;
	s1 =	sshrl.u32 s1, $0x2  }
0x31: {  	s3 =	sand.u32 $0x4000, s31;
	s1 =	sadd.s32 s1, s30  }
0x32: {  	s0 =	sor.u32 s3, s0;
	s1 =	sshll.u32 s1, $0x11  }
0x33: {  	s0 =	sor.u32 s1, s0  }
0x34: {  	s0 =	sadd.s32 $0x8F2B, s0  }
0x35: {  	[sflag:s0] =	ssyncadd.remote.s32 $0x1  }
0x36: {  	_ =	sfence.sel $0xFFFF  }
0x37: {  	[dreg:$0x0] =	wrdreg $0xFFFFFFFF;
	(pc) =	sbr.abs _section_cstart, $3  }
0x38: {  	[dreg:$0x1] =	wrdreg $0xFFFFFFFF  }
0x39: {  	_ =	task.clear_ibuf [dreg:s7], $0x2FFFF;
	_ =	strace $0x9FFFFFFF  }
0x3a: {  	(tm) =	ssettm $0x7FFFFFFF  }
0x3b: {  	_ =	shalt  }
tec
execute0_lowered:
.L_overlay_start_1:
0x0: {  	(tag) =	ssettag $0x1  }
0x1: {  	s0 =	srdreg.scid  }
0x2: {  	s1 =	sshll.u32 s0, $0x4  }
0x3: {  	s4 =	rddreg [dreg:$0x0];
	s0 =	stileid.u32;
	s1 =	sand.u32 $0x10, s1  }
0x4: {  	s2 =	rddreg [dreg:$0x1];
	s7 =	simm.s32 $0x1;
	s1 =	sor.u32 s0, s1  }
0x5: {  	s8 =	simm.s32 $0x2;
	s11 =	simm.s32 $0x0;
	s3 =	sshll.u32 s1, $0x7  }
0x6: {  	s10 =	simm.s32 $0x0;
	s4 =	sadd.s32 $0x800, s4;
	s6 =	ssub.s32 $0xC8000, s3  }
.Ltmp0:
0x7: {  	s1 =	rddreg [dreg:$0x2];
	s5 =	sand.u32 $0xF80, s6;
	(pc) =	sbr.rel .LBB1_1-.Ltmp0, $4  }
0x8: {  	_ =	strace $0x8000004A;
	s9 =	smov.u32 s3;
	p0 =	sne.s32 s5, $0x0  }
0x9: {  	s6 =	sshrl.u32 s6, $0xC;
	s5 =	simm.s32 $0x1;
	s7 =	simm.s32 @!p0 $0x0  }
0xa: {  	[sflag:s5] =	ssyncpa.u1 $0x0;
	p0 =	por $0x0, $0x0;
	s6 =	sadd.s32 s7, s6  }
0xb: {  	[sflag:s8] =	ssyncpa.u1 $0x0;
	s8 =	simm.s32 $0x640000;
	s7 =	sadd.s32 $0x1, s6  }
.LBB1_4:
0xc: {  	s14 =	sshll.u32 s11, $0x3  }
0xd: {  	s30 =	sand.u32 $0x7F, s11;
	s15 =	sand.u32 $0xFFFFFC00, s14  }
0xe: {  	s11 =	sor.u32 s30, s15  }
0xf: {  	s15 =	smulhi.u32 $0x51EB851F, s11  }
0x10: {  	s14 =	smulhi.u32 $0x51EB851F, s14  }
0x11: {  	s15 =	sshrl.u32 s15, $0x12  }
0x12: {  	s14 =	sshrl.u32 s14, $0x12;
	s15 =	smul.u32 $0xC8000, s15  }
0x13: {  	s14 =	sand.u32 $0x3F, s14  }
0x14: {  	s14 =	smul.u32 $0x19000, s14;
	s11 =	ssub.s32 s11, s15  }
0x15: {  	[tilespmem:s13+$0x810 ss:$0x81] =	vst.msk $0xffff, v2;
	s15 =	sand.u32 $0x7, s11  }
0x16: {  	[tilespmem:s13+$0x1020 ss:$0x81] =	vst.msk $0xffff, v0;
	s14 =	sadd.s32 s2, s14;
	s11 =	sshrl.u32 s11, $0x3;
	s15 =	sshll.u32 s15, $0x12  }
0x17: {  	[tilespmem:s13+$0x0 ss:$0x81] =	vst.msk $0xffff, v1;
	s11 =	sadd.s32 s11, s14;
	s31 =	sor.u32 $0x400, s15  }
0x18: {  	[hbm4b:s11+s31] =	stream.strided.scatter [tilespmem:s12], [sflag:$0x2], $0x2000, s8, s31, $0x20;
	[tilespmem:$0x8080] =	vst v63  }
.LBB1_5:
0x19: {  	s13 =	sadd.s32 $0x1000, s9  }
0x1a: {  	p2 =	sgt.s32 s13, $0xC7FFF  }
0x1b: {  	s13 =	smov.u32 @p2 s3;
	p2 =	sne.s32 s10, s7  }
.Ltmp1:
0x1c: {  	p1 =	slt.u32 s10, $0x2;
	(pc) =	sbr.rel @!p2 .LBB1_6-.Ltmp1, $4  }
0x1d: {  	s12 =	simm.s32 @!p1 $0x2  }
0x1e: {  	s14 =	sadd.s32 $0x1, s10;
	_ =	swait.ge @!p1 [sflag:s12], $0x2000  }
0x1f: {  	s11 =	smov.u32 s9;
	p0 =	por !p0, !p0;
	[sflag:s12] =	ssyncset.done @!p1 $0x0  }
0x20: {  	s10 =	smov.u32 s14;
	s9 =	smov.u32 s13;
	[sflag:s12] =	ssyncadd.s32 @!p1 $0xFFFFE000  }
.LBB1_1:
0x21: {  	p1 =	sge.u32 s10, s6  }
0x22: {  	s12 =	sand.u32 @!p1 $0x1FFFFFF, s9  }
0x23: {  	s13 =	smulhi.u32 @!p1 $0x147AE15, s12;
	_ =	sdelay $0x1  }
0x24: {  	s13 =	sshrl.u32 @!p1 s13, $0xC  }
0x25: {  	s13 =	smul.u32 @!p1 $0xC8000, s13;
	_ =	sdelay $0x1  }
0x26: {  	s31 =	sadd.s32 $0xFFFFFFFF, s10;
	s14 =	sxor.u32 @!p1 $0xFFFFFFFF, s10;
	s12 =	ssub.s32 @!p1 s12, s13  }
0x27: {  	s15 =	simm.s32 @!p1 $0x80;
	s14 =	sshll.u32 @!p1 s14, $0xD;
	s12 =	sshll.u32 @!p1 s12, $0x4  }
0x28: {  	s13 =	sand.u32 @!p1 $0x2000, s14;
	s14 =	simm.s32 @!p1 $0x40;
	s12 =	sadd.s32 @!p1 s4, s12  }
0x29: {  	[tilespmem:s13], [sflag:$0x1] =	stream.strided.gather @!p1 [hbm4b:s12+s14], $0x2000, s15, s14, $0x38;
	[tilespmem:$0x8080] =	vst v63  }
0x2a: {  	p1 =	sge.u32 s31, s6  }
.Ltmp2:
0x2b: {  	_ = 	snop;
	(pc) =	sbr.rel @p1 .LBB1_5-.Ltmp2, $1  }
0x2c: {  	_ =	sdelay $0x3  }
0x2d: {  	s12 =	simm.s32 $0x1  }
0x2e: {  	_ =	swait.ge [sflag:s5], $0x2000;
	s12 =	simm.s32 @!p0 $0x0  }
0x2f: {  	[sflag:s5] =	ssyncset.done $0x0;
	s13 =	sshll.u32 s12, $0xD  }
0x30: {  	[sflag:s5] =	ssyncadd.s32 $0xFFFFE000;
	s16 =	sor.u32 $0x20, s13  }
0x31: {  	s12 =	smul.u32 $0x8100, s12;
	v3 =	vld [tilespmem:s16+$0x10]  }
0x32: {  	s30 =	sand.u32 $0x1, s10;
	v2 =	vld [tilespmem:s16+$0xFFFFFFF0]  }
0x33: {  	s13 =	smul.u32 $0x8100, s30;
	s12 =	sshrl.u32 s12, $0x2;
	v0 =	vld [tilespmem:s16+$0x0]  }
0x34: {  	v1 =	vld [tilespmem:s16+$0xFFFFFFE0];
	s14 =	sor.u32 $0x4000, s12  }
0x35: {  	s31 =	sshrl.u32 s13, $0x2;
	s13 =	sadd.s32 $0x0, s14  }
0x36: {  	s15 =	simm.s32 $0x4;
	s16 =	sadd.s32 $0x40, s16;
	s12 =	sor.u32 $0x4000, s31;
	[tilespmem:s13+$0x1830 ss:$0x81] =	vst.msk $0xffff, v3  }
.LBB1_3:
0x37: {  	v3 =	vld [tilespmem:s16+$0x10];
	p1 =	sne.s32 s15, $0x1FC;
	[tilespmem:s13+$0x810 ss:$0x81] =	vst.msk $0xffff, v2;
	s17 =	smov.u32 s15;
	s15 =	sadd.s32 $0x4, s15  }
.Ltmp3:
0x38: {  	v2 =	vld [tilespmem:s16+$0xFFFFFFF0];
	[tilespmem:s13+$0x1020 ss:$0x81] =	vst.msk $0xffff, v0;
	(pc) =	sbr.rel @p1 .LBB1_3-.Ltmp3, $4  }
0x39: {  	v0 =	vld [tilespmem:s16+$0x0];
	[tilespmem:s13+$0x0 ss:$0x81] =	vst.msk $0xffff, v1  }
0x3a: {  	s13 =	sshra.s32 s17, $0x2;
	v1 =	vld [tilespmem:s16+$0xFFFFFFE0]  }
0x3b: {  	s13 =	sadd.s32 s13, s14  }
0x3c: {  	s16 =	sadd.s32 $0x40, s16;
	[tilespmem:s13+$0x1830 ss:$0x81] =	vst.msk $0xffff, v3  }
.Ltmp4:
0x3d: {  	_ = 	snop;
	(pc) =	sbr.rel .LBB1_4-.Ltmp4, $1  }
0x3e: {  	_ =	sdelay $0x3  }
.LBB1_6:
0x3f: {  	_ =	sfence.sel $0x180000  }
0x40: {  	s2 =	simm.s32 $0x1;
	[bflag:$0x0] =	sbarrier.arrive $0xFFFF  }
0x41: {  	s31 =	simm.s32 $0x2;
	[sflag:s2] =	ssyncpa.u1 $0x1  }
0x42: {  	[sflag:s31] =	ssyncpa.u1 $0x1  }
0x43: {  	p0 =	sne.s32 s0, $0x0;
	_ =	strace $0x9000004A  }
0x44: {  	s0 =	sadd.s32 @!p0 $0x100000, s1;
	[bflag:$0x2] =	sbarrier.arrive $0xFFFF  }
0x45: {  	[sflag:s0] =	ssyncadd.tile.s32 @!p0 $0x1;
	_ =	shalt  }
.Lfunc_end1:
_tile_overlayer_lowered:
.L_overlay_start_2:
0x46: {  	(tag) =	ssettag $0x2  }
0x47: {  	s0 =	rddreg [dreg:$0x0];
	s2 =	stileid.u32  }
0x48: {  	s1 =	rddreg [dreg:$0x1];
	p0 =	sne.s32 s2, $0x0  }
0x49: {  	s3 =	rddreg [dreg:$0x2];
	[bflag:$0x3] =	sbarrier.arrive $0xFFFF;
	s2 =	simm.s32 @!p0 $0x1C01  }
0x4a: {  	[timem:s3], [sflag:s2] =	dma.local @!p0 [hbm:s0], s1  }
0x4b: {  	s0 =	simm.s32 @!p0 $0x1  }
0x4c: {  	_ =	swait.ge @!p0 [sflag:s0], s1  }
0x4d: {  	s1 =	ssub.s32 @!p0 $0x0, s1;
	[sflag:s0] =	ssyncset.done @!p0 $0x0  }
0x4e: {  	[sflag:s0] =	ssyncadd.s32 @!p0 s1  }
0x4f: {  	[bflag:$0x3] =	sbarrier.arrive $0xFFFF  }
0x50: {  	_ =	shalt  }

</sc_bundles>
